<compile_context>
chip_gen: v7x
topology: tpu7x:2x2x1
jax: 0.10.2.dev20260603
libtpu: 0.0.44.dev20260713+nightly
codegen_flags: <defaults>
</compile_context>

<pallas_src>
import functools

import jax
import jax.numpy as jnp
from jax import lax
from jax.experimental import pallas as pl
from jax.experimental.pallas import tpu as pltpu
from jax.experimental.pallas import tpu_sc as plsc

N_NODES = 10000
N_EDGES = 320000
D = 128

NC = 2
NS = 16
N_TILES = NC * NS
CHUNK = 80
EDGES_PER_TILE = N_EDGES // N_TILES
N_CHUNKS = EDGES_PER_TILE // CHUNK
NBUF = 3
MAIN = (N_CHUNKS // NBUF) * NBUF
N_PAD = 10240
ROWS_PER_TILE = N_PAD // NS


def _sc_segment_sum(h, idx3, zrows):
    mesh = plsc.VectorSubcoreMesh(core_axis_name="c", subcore_axis_name="s")

    @functools.partial(
        pl.kernel,
        mesh=mesh,
        out_type=jax.ShapeDtypeStruct((NC, N_PAD, D), jnp.float32),
        scratch_types=[
            pltpu.VMEM((N_CHUNKS, CHUNK), jnp.int32),
            pltpu.VMEM((NBUF, CHUNK, D), jnp.float32),
            pltpu.VMEM_SHARED((N_PAD, D), jnp.float32),
            pltpu.SemaphoreType.DMA,
            pltpu.SemaphoreType.DMA,
        ],
    )
    def k(h_hbm, idx_hbm, z_hbm, out_hbm, idxbuf, hbuf, acc, sem, ssem):
        c = lax.axis_index("c")
        s = lax.axis_index("s")
        wid = c * NS + s
        edge_base = wid * EDGES_PER_TILE

        pltpu.sync_copy(z_hbm, acc.at[pl.ds(s * ROWS_PER_TILE, ROWS_PER_TILE)])

        pltpu.sync_copy(idx_hbm.at[wid], idxbuf)

        plsc.subcore_barrier()

        def wait_load(b):
            pltpu.make_async_copy(
                h_hbm.at[pl.ds(0, CHUNK)], hbuf.at[b], sem).wait()

        def idxs(i):
            return idxbuf.at[i]

        def drain_scatter():
            pltpu.make_async_copy(
                hbuf.at[0], acc.at[idxs(0)], ssem).wait()

        for b in range(NBUF - 1):
            pltpu.async_copy(
                h_hbm.at[pl.ds(edge_base + b * CHUNK, CHUNK)], hbuf.at[b], sem)

        @pl.loop(0, MAIN, step=NBUF)
        def _(g):
            for b in range(NBUF):
                i = g + b
                wait_load(b)
                pltpu.async_copy(hbuf.at[b], acc.at[idxs(i)], ssem,
                                 add=True)

                @pl.when(i >= 1)
                def _():
                    drain_scatter()

                nxt = i + NBUF - 1

                @pl.when(nxt < N_CHUNKS)
                def _():
                    pltpu.async_copy(
                        h_hbm.at[pl.ds(edge_base + nxt * CHUNK, CHUNK)],
                        hbuf.at[(b + NBUF - 1) % NBUF], sem)

        for t in range(MAIN, N_CHUNKS):
            b = t % NBUF
            wait_load(b)
            pltpu.async_copy(hbuf.at[b], acc.at[idxs(t)], ssem, add=True)
            drain_scatter()
        drain_scatter()

        plsc.subcore_barrier()

        pltpu.sync_copy(
            acc.at[pl.ds(s * ROWS_PER_TILE, ROWS_PER_TILE)],
            out_hbm.at[c, pl.ds(s * ROWS_PER_TILE, ROWS_PER_TILE)],
        )

    return k(h, idx3, zrows)


_CN = (((1,), (1,)), ((), ()))


def _tc_output(r, p, W):
    BLK = 2000

    def body(r_ref, p_ref, w_ref, o_ref):
        msg = p_ref[0] + p_ref[1]
        acc = lax.dot_general(r_ref[...], w_ref[:, :D], _CN,
                              preferred_element_type=jnp.float32)
        acc += lax.dot_general(msg, w_ref[:, D:], _CN,
                               preferred_element_type=jnp.float32)
        o_ref[...] = jnp.maximum(acc, 0.0)

    return pl.pallas_call(
        body,
        grid=(N_NODES // BLK,),
        in_specs=[
            pl.BlockSpec((BLK, D), lambda i: (i, 0)),
            pl.BlockSpec((NC, BLK, D), lambda i: (0, i, 0)),
            pl.BlockSpec((D, 2 * D), lambda i: (0, 0)),
        ],
        out_specs=pl.BlockSpec((BLK, D), lambda i: (i, 0)),
        out_shape=jax.ShapeDtypeStruct((N_NODES, D), jnp.float32),
    )(r, p, W)


def kernel(r, h, nbrs, W):
    idx3 = nbrs[:, 0].reshape(N_TILES, N_CHUNKS, CHUNK)
    zrows = jnp.zeros((ROWS_PER_TILE, D), jnp.float32)
    p = _sc_segment_sum(h, idx3, zrows)
    return _tc_output(r, p, W)

# --- scband reference (transcript-rebuilt; emitter-appended) ---
"""Pipeline reference for scband-chem-prop-msg-to-node-5325759447401 (READ-ONLY COPY).

The authoritative reference and input builder live on the scoring server;
editing this copy changes nothing except your own understanding.
"""

import jax, jax.numpy as jnp
import numpy as np

N_NODES = 10000
N_EDGES = 320000
D_FEAT = 128


def setup_inputs(seed: int = 0) -> dict:
    key = jax.random.key(seed)
    k1, k2, k3, k4 = jax.random.split(key, 4)
    r = jax.random.normal(k1, (N_NODES, D_FEAT), dtype=jnp.float32)
    h = jax.random.normal(k2, (N_EDGES, D_FEAT), dtype=jnp.float32)
    nbrs = jax.random.randint(k3, (N_EDGES, 2), 0, N_NODES, dtype=jnp.int32)
    # Linear(256 -> 128) weight, bias removed by remove_bias(); torch layout [out, in]
    W = jax.random.normal(k4, (D_FEAT, 2 * D_FEAT), dtype=jnp.float32) * 0.05
    return {"r": r, "h": h, "nbrs": nbrs, "W": W}


def reference(r, h, nbrs, W):
    num_nodes = r.shape[0]
    # chemprop_msg_to_node: scatter-add edge features onto their first-index node
    msg_to_node = jax.ops.segment_sum(h, nbrs[:, 0], num_segments=num_nodes)
    cat_node = jnp.concatenate((r, msg_to_node), axis=1)
    # self.output = Sequential(Linear(256,128,bias=False), ReLU())
    new_node_feats = jax.nn.relu(cat_node @ W.T)
    return new_node_feats

if __name__ == "__main__":
    import jax
    _d = setup_inputs()
    print(jax.jit(kernel)(*tuple(_d.values())))

</pallas_src>

<mosaic_0001>
#map = affine_map<(d0, d1) -> (0, 0)>
#map1 = affine_map<(d0, d1) -> (0, 0, 0)>
module attributes {stable_mosaic.version = 14 : i64} {
  func.func @k(%arg0: i32, %arg1: i32, %arg2: memref<320000x128xf32, #tpu.memory_space<hbm>>, %arg3: memref<32x125x80xi32, #tpu.memory_space<hbm>>, %arg4: memref<640x128xf32, #tpu.memory_space<hbm>>, %arg5: memref<2x10240x128xf32, #tpu.memory_space<hbm>>, %arg6: memref<125x80xi32, #tpu.memory_space<vmem>>, %arg7: memref<3x80x128xf32, #tpu.memory_space<vmem>>, %arg8: memref<10240x128xf32, #tpu.memory_space<vmem_shared>>, %arg9: memref<!tpu.dma_semaphore, #tpu.memory_space<semaphore_mem>>, %arg10: memref<!tpu.dma_semaphore, #tpu.memory_space<semaphore_mem>>) attributes {dimension_semantics = [#tpu.dimension_semantics<core_parallel>, #tpu.dimension_semantics<subcore_parallel>], iteration_bounds = array<i64: 2, 16>, scalar_prefetch = 0 : i64, scratch_operands = 5 : i64, tpu.core_type = #tpu.core_type<sc_vector_subcore>, window_params = [{transform_indices = #map}, {transform_indices = #map1}, {transform_indices = #map}, {transform_indices = #map1}]} {
    %mul3A = arith.constant 16 : i32
    %mul3A_0 = arith.muli %arg0, %mul3A : i32
    %add3A = arith.addi %mul3A_0, %arg1 : i32
    %mul3A_1 = arith.constant 10000 : i32
    %mul3A_2 = arith.muli %add3A, %mul3A_1 : i32
    %mul3A_3 = arith.constant 640 : i32
    %mul3A_4 = arith.muli %arg1, %mul3A_3 : i32
    "tpu.region"() ({
      %run_scoped3A = tpu.sem_alloc : memref<!tpu.dma_semaphore, #tpu.memory_space<semaphore_mem>>
      %dma_start3A_132 = arith.constant 0 : i32
      %dma_start3A_133 = tpu.memref_slice %arg8[%mul3A_4, %dma_start3A_132] : memref<10240x128xf32, #tpu.memory_space<vmem_shared>> -> memref<640x128xf32, #tpu.memory_space<vmem_shared>>
      tpu.enqueue_dma source(%arg4 : memref<640x128xf32, #tpu.memory_space<hbm>>) target(%dma_start3A_133 : memref<640x128xf32, #tpu.memory_space<vmem_shared>>) target_semaphore(%run_scoped3A : memref<!tpu.dma_semaphore, #tpu.memory_space<semaphore_mem>>)
      %dma_wait3A_134 = arith.constant 0 : i32
      %dma_wait3A_135 = tpu.memref_slice %arg8[%mul3A_4, %dma_wait3A_134] : memref<10240x128xf32, #tpu.memory_space<vmem_shared>> -> memref<640x128xf32, #tpu.memory_space<vmem_shared>>
      tpu.wait_dma2 semaphore(%run_scoped3A : memref<!tpu.dma_semaphore, #tpu.memory_space<semaphore_mem>>) src(%arg4 : memref<640x128xf32, #tpu.memory_space<hbm>>) dst(%dma_wait3A_135 : memref<640x128xf32, #tpu.memory_space<vmem_shared>>)
      tpu.yield
    }) : () -> ()
    "tpu.region"() ({
      %run_scoped3A = tpu.sem_alloc : memref<!tpu.dma_semaphore, #tpu.memory_space<semaphore_mem>>
      %dma_start3A_132 = arith.constant 0 : i32
      %dma_start3A_133 = arith.constant 0 : i32
      %dma_start3A_134 = tpu.memref_slice %arg3[%add3A, %dma_start3A_132, %dma_start3A_133] : memref<32x125x80xi32, #tpu.memory_space<hbm>> -> memref<1x125x80xi32, #tpu.memory_space<hbm>>
      %dma_start3A_135 = tpu.memref_squeeze %dma_start3A_134 : memref<1x125x80xi32, #tpu.memory_space<hbm>> -> memref<125x80xi32, #tpu.memory_space<hbm>>
      %dma_start3A_136 = arith.constant 0 : i32
      %dma_start3A_137 = arith.constant 0 : i32
      %dma_start3A_138 = tpu.memref_slice %arg3[%add3A, %dma_start3A_136, %dma_start3A_137] : memref<32x125x80xi32, #tpu.memory_space<hbm>> -> memref<1x125x80xi32, #tpu.memory_space<hbm>>
      %dma_start3A_139 = tpu.memref_squeeze %dma_start3A_138 : memref<1x125x80xi32, #tpu.memory_space<hbm>> -> memref<125x80xi32, #tpu.memory_space<hbm>>
      tpu.enqueue_dma source(%dma_start3A_139 : memref<125x80xi32, #tpu.memory_space<hbm>>) target(%arg6 : memref<125x80xi32, #tpu.memory_space<vmem>>) target_semaphore(%run_scoped3A : memref<!tpu.dma_semaphore, #tpu.memory_space<semaphore_mem>>)
      %dma_wait3A_140 = arith.constant 0 : i32
      %dma_wait3A_141 = arith.constant 0 : i32
      %dma_wait3A_142 = tpu.memref_slice %arg3[%add3A, %dma_wait3A_140, %dma_wait3A_141] : memref<32x125x80xi32, #tpu.memory_space<hbm>> -> memref<1x125x80xi32, #tpu.memory_space<hbm>>
      %dma_wait3A_143 = tpu.memref_squeeze %dma_wait3A_142 : memref<1x125x80xi32, #tpu.memory_space<hbm>> -> memref<125x80xi32, #tpu.memory_space<hbm>>
      %dma_wait3A_144 = arith.constant 0 : i32
      %dma_wait3A_145 = arith.constant 0 : i32
      %dma_wait3A_146 = tpu.memref_slice %arg3[%add3A, %dma_wait3A_144, %dma_wait3A_145] : memref<32x125x80xi32, #tpu.memory_space<hbm>> -> memref<1x125x80xi32, #tpu.memory_space<hbm>>
      %dma_wait3A_147 = tpu.memref_squeeze %dma_wait3A_146 : memref<1x125x80xi32, #tpu.memory_space<hbm>> -> memref<125x80xi32, #tpu.memory_space<hbm>>
      tpu.wait_dma2 semaphore(%run_scoped3A : memref<!tpu.dma_semaphore, #tpu.memory_space<semaphore_mem>>) src(%dma_wait3A_147 : memref<125x80xi32, #tpu.memory_space<hbm>>) dst(%arg6 : memref<125x80xi32, #tpu.memory_space<vmem>>)
      tpu.yield
    }) : () -> ()
    %barrier3A = arith.constant 0 : index
    tpu.barrier barrier_id(%barrier3A)
    %add3A_5 = arith.constant 0 : i32
    %add3A_6 = arith.addi %mul3A_2, %add3A_5 : i32
    %dma_start3A = arith.constant 0 : i32
    %dma_start3A_7 = arith.constant 0 : i32
    %dma_start3A_8 = arith.constant 0 : i32
    %dma_start3A_9 = tpu.memref_slice %arg7[%dma_start3A, %dma_start3A_7, %dma_start3A_8] : memref<3x80x128xf32, #tpu.memory_space<vmem>> -> memref<1x80x128xf32, #tpu.memory_space<vmem>>
    %dma_start3A_10 = tpu.memref_squeeze %dma_start3A_9 : memref<1x80x128xf32, #tpu.memory_space<vmem>> -> memref<80x128xf32, #tpu.memory_space<vmem>>
    %dma_start3A_11 = arith.constant 0 : i32
    %dma_start3A_12 = tpu.memref_slice %arg2[%add3A_6, %dma_start3A_11] : memref<320000x128xf32, #tpu.memory_space<hbm>> -> memref<80x128xf32, #tpu.memory_space<hbm>>
    %dma_start3A_13 = arith.constant 0 : i32
    %dma_start3A_14 = arith.constant 0 : i32
    %dma_start3A_15 = tpu.memref_slice %arg7[%dma_start3A, %dma_start3A_13, %dma_start3A_14] : memref<3x80x128xf32, #tpu.memory_space<vmem>> -> memref<1x80x128xf32, #tpu.memory_space<vmem>>
    %dma_start3A_16 = tpu.memref_squeeze %dma_start3A_15 : memref<1x80x128xf32, #tpu.memory_space<vmem>> -> memref<80x128xf32, #tpu.memory_space<vmem>>
    %dma_start3A_17 = arith.constant 0 : i32
    %dma_start3A_18 = tpu.memref_slice %arg2[%add3A_6, %dma_start3A_17] : memref<320000x128xf32, #tpu.memory_space<hbm>> -> memref<80x128xf32, #tpu.memory_space<hbm>>
    tpu.enqueue_dma source(%dma_start3A_18 : memref<80x128xf32, #tpu.memory_space<hbm>>) target(%dma_start3A_16 : memref<80x128xf32, #tpu.memory_space<vmem>>) target_semaphore(%arg9 : memref<!tpu.dma_semaphore, #tpu.memory_space<semaphore_mem>>)
    %add3A_19 = arith.constant 80 : i32
    %add3A_20 = arith.addi %mul3A_2, %add3A_19 : i32
    %dma_start3A_21 = arith.constant 1 : i32
    %dma_start3A_22 = arith.constant 0 : i32
    %dma_start3A_23 = arith.constant 0 : i32
    %dma_start3A_24 = tpu.memref_slice %arg7[%dma_start3A_21, %dma_start3A_22, %dma_start3A_23] : memref<3x80x128xf32, #tpu.memory_space<vmem>> -> memref<1x80x128xf32, #tpu.memory_space<vmem>>
    %dma_start3A_25 = tpu.memref_squeeze %dma_start3A_24 : memref<1x80x128xf32, #tpu.memory_space<vmem>> -> memref<80x128xf32, #tpu.memory_space<vmem>>
    %dma_start3A_26 = arith.constant 0 : i32
    %dma_start3A_27 = tpu.memref_slice %arg2[%add3A_20, %dma_start3A_26] : memref<320000x128xf32, #tpu.memory_space<hbm>> -> memref<80x128xf32, #tpu.memory_space<hbm>>
    %dma_start3A_28 = arith.constant 0 : i32
    %dma_start3A_29 = arith.constant 0 : i32
    %dma_start3A_30 = tpu.memref_slice %arg7[%dma_start3A_21, %dma_start3A_28, %dma_start3A_29] : memref<3x80x128xf32, #tpu.memory_space<vmem>> -> memref<1x80x128xf32, #tpu.memory_space<vmem>>
    %dma_start3A_31 = tpu.memref_squeeze %dma_start3A_30 : memref<1x80x128xf32, #tpu.memory_space<vmem>> -> memref<80x128xf32, #tpu.memory_space<vmem>>
    %dma_start3A_32 = arith.constant 0 : i32
    %dma_start3A_33 = tpu.memref_slice %arg2[%add3A_20, %dma_start3A_32] : memref<320000x128xf32, #tpu.memory_space<hbm>> -> memref<80x128xf32, #tpu.memory_space<hbm>>
    tpu.enqueue_dma source(%dma_start3A_33 : memref<80x128xf32, #tpu.memory_space<hbm>>) target(%dma_start3A_31 : memref<80x128xf32, #tpu.memory_space<vmem>>) target_semaphore(%arg9 : memref<!tpu.dma_semaphore, #tpu.memory_space<semaphore_mem>>)
    %scan3A = arith.constant 0 : i32
    %scan3A_34 = arith.constant 41 : i32
    %scan3A_35 = arith.addi %scan3A, %scan3A_34 : i32
    %scan3A_36 = arith.constant 1 : i32
    scf.for %scan3A_132 = %scan3A to %scan3A_35 step %scan3A_36  : i32 {
      %mul3A_133 = arith.constant 3 : i32
      %mul3A_134 = arith.muli %scan3A_132, %mul3A_133 : i32
      %add3A_135 = arith.constant 0 : i32
      %add3A_136 = arith.addi %add3A_135, %mul3A_134 : i32
      %add3A_137 = arith.constant 0 : i32
      %add3A_138 = arith.addi %add3A_136, %add3A_137 : i32
      %dma_wait3A_139 = arith.constant 0 : i32
      %dma_wait3A_140 = arith.constant 0 : i32
      %dma_wait3A_141 = arith.constant 0 : i32
      %dma_wait3A_142 = tpu.memref_slice %arg7[%dma_wait3A_139, %dma_wait3A_140, %dma_wait3A_141] : memref<3x80x128xf32, #tpu.memory_space<vmem>> -> memref<1x80x128xf32, #tpu.memory_space<vmem>>
      %dma_wait3A_143 = tpu.memref_squeeze %dma_wait3A_142 : memref<1x80x128xf32, #tpu.memory_space<vmem>> -> memref<80x128xf32, #tpu.memory_space<vmem>>
      %dma_wait3A_144 = arith.constant 0 : i32
      %dma_wait3A_145 = arith.constant 0 : i32
      %dma_wait3A_146 = tpu.memref_slice %arg2[%dma_wait3A_144, %dma_wait3A_145] : memref<320000x128xf32, #tpu.memory_space<hbm>> -> memref<80x128xf32, #tpu.memory_space<hbm>>
      %dma_wait3A_147 = arith.constant 0 : i32
      %dma_wait3A_148 = arith.constant 0 : i32
      %dma_wait3A_149 = tpu.memref_slice %arg7[%dma_wait3A_139, %dma_wait3A_147, %dma_wait3A_148] : memref<3x80x128xf32, #tpu.memory_space<vmem>> -> memref<1x80x128xf32, #tpu.memory_space<vmem>>
      %dma_wait3A_150 = tpu.memref_squeeze %dma_wait3A_149 : memref<1x80x128xf32, #tpu.memory_space<vmem>> -> memref<80x128xf32, #tpu.memory_space<vmem>>
      %dma_wait3A_151 = arith.constant 0 : i32
      %dma_wait3A_152 = arith.constant 0 : i32
      %dma_wait3A_153 = tpu.memref_slice %arg2[%dma_wait3A_151, %dma_wait3A_152] : memref<320000x128xf32, #tpu.memory_space<hbm>> -> memref<80x128xf32, #tpu.memory_space<hbm>>
      tpu.wait_dma2 semaphore(%arg9 : memref<!tpu.dma_semaphore, #tpu.memory_space<semaphore_mem>>) src(%dma_wait3A_153 : memref<80x128xf32, #tpu.memory_space<hbm>>) dst(%dma_wait3A_150 : memref<80x128xf32, #tpu.memory_space<vmem>>)
      %dma_start3A_154 = arith.constant 0 : i32
      %dma_start3A_155 = arith.constant 0 : i32
      %dma_start3A_156 = arith.constant 0 : i32
      %dma_start3A_157 = tpu.memref_slice %arg7[%dma_start3A_154, %dma_start3A_155, %dma_start3A_156] : memref<3x80x128xf32, #tpu.memory_space<vmem>> -> memref<1x80x128xf32, #tpu.memory_space<vmem>>
      %dma_start3A_158 = tpu.memref_squeeze %dma_start3A_157 : memref<1x80x128xf32, #tpu.memory_space<vmem>> -> memref<80x128xf32, #tpu.memory_space<vmem>>
      %dma_start3A_159 = arith.constant 0 : i32
      %dma_start3A_160 = tpu.memref_slice %arg6[%add3A_138, %dma_start3A_159] : memref<125x80xi32, #tpu.memory_space<vmem>> -> memref<1x80xi32, #tpu.memory_space<vmem>>
      %dma_start3A_161 = tpu.memref_squeeze %dma_start3A_160 : memref<1x80xi32, #tpu.memory_space<vmem>> -> memref<80xi32, #tpu.memory_space<vmem>>
      %dma_start3A_162 = arith.constant 0 : i32
      %dma_start3A_163 = arith.constant 0 : i32
      %dma_start3A_164 = tpu.memref_slice %arg8[%dma_start3A_162, %dma_start3A_163] : memref<10240x128xf32, #tpu.memory_space<vmem_shared>> -> memref<10240x128xf32, #tpu.memory_space<vmem_shared>>
      tpu.enqueue_indirect_dma source(%dma_start3A_158 : memref<80x128xf32, #tpu.memory_space<vmem>>) target(%dma_start3A_164 : memref<10240x128xf32, #tpu.memory_space<vmem_shared>>) offsets(%dma_start3A_161 : memref<80xi32, #tpu.memory_space<vmem>>) semaphore(%arg10 : memref<!tpu.dma_semaphore, #tpu.memory_space<semaphore_mem>>) {add = true}
      %ge3A = arith.constant 1 : i32
      %ge3A_165 = arith.cmpi sge, %add3A_138, %ge3A : i32
      %convert_element_type3A = arith.extui %ge3A_165 : i1 to i32
      %cond3A = arith.constant 0 : i32
      %cond3A_166 = arith.cmpi ne, %convert_element_type3A, %cond3A : i32
      scf.if %cond3A_166 {
        %dma_wait3A_258 = arith.constant 0 : i32
        %dma_wait3A_259 = arith.constant 0 : i32
        %dma_wait3A_260 = arith.constant 0 : i32
        %dma_wait3A_261 = arith.constant 0 : i32
        %dma_wait3A_262 = tpu.memref_slice %arg7[%dma_wait3A_258, %dma_wait3A_260, %dma_wait3A_261] : memref<3x80x128xf32, #tpu.memory_space<vmem>> -> memref<1x80x128xf32, #tpu.memory_space<vmem>>
        %dma_wait3A_263 = tpu.memref_squeeze %dma_wait3A_262 : memref<1x80x128xf32, #tpu.memory_space<vmem>> -> memref<80x128xf32, #tpu.memory_space<vmem>>
        %dma_wait3A_264 = arith.constant 0 : i32
        %dma_wait3A_265 = tpu.memref_slice %arg6[%dma_wait3A_259, %dma_wait3A_264] : memref<125x80xi32, #tpu.memory_space<vmem>> -> memref<1x80xi32, #tpu.memory_space<vmem>>
        %dma_wait3A_266 = tpu.memref_squeeze %dma_wait3A_265 : memref<1x80xi32, #tpu.memory_space<vmem>> -> memref<80xi32, #tpu.memory_space<vmem>>
        %dma_wait3A_267 = arith.constant 0 : i32
        %dma_wait3A_268 = arith.constant 0 : i32
        %dma_wait3A_269 = tpu.memref_slice %arg8[%dma_wait3A_267, %dma_wait3A_268] : memref<10240x128xf32, #tpu.memory_space<vmem_shared>> -> memref<10240x128xf32, #tpu.memory_space<vmem_shared>>
        tpu.wait_indirect_dma semaphore(%arg10 : memref<!tpu.dma_semaphore, #tpu.memory_space<semaphore_mem>>) src(%dma_wait3A_263 : memref<80x128xf32, #tpu.memory_space<vmem>>) dst(%dma_wait3A_269 : memref<10240x128xf32, #tpu.memory_space<vmem_shared>>)
      } else {
      }
      %add3A_167 = arith.constant 3 : i32
      %add3A_168 = arith.addi %add3A_138, %add3A_167 : i32
      %sub3A = arith.constant 1 : i32
      %sub3A_169 = arith.subi %add3A_168, %sub3A : i32
      %lt3A = arith.constant 125 : i32
      %lt3A_170 = arith.cmpi slt, %sub3A_169, %lt3A : i32
      %convert_element_type3A_171 = arith.extui %lt3A_170 : i1 to i32
      %cond3A_172 = arith.constant 0 : i32
      %cond3A_173 = arith.cmpi ne, %convert_element_type3A_171, %cond3A_172 : i32
      scf.if %cond3A_173 {
        %mul3A_258 = arith.constant 80 : i32
        %mul3A_259 = arith.muli %sub3A_169, %mul3A_258 : i32
        %add3A_260 = arith.addi %mul3A_2, %mul3A_259 : i32
        %dma_start3A_261 = arith.constant 2 : i32
        %dma_start3A_262 = arith.constant 0 : i32
        %dma_start3A_263 = arith.constant 0 : i32
        %dma_start3A_264 = tpu.memref_slice %arg7[%dma_start3A_261, %dma_start3A_262, %dma_start3A_263] : memref<3x80x128xf32, #tpu.memory_space<vmem>> -> memref<1x80x128xf32, #tpu.memory_space<vmem>>
        %dma_start3A_265 = tpu.memref_squeeze %dma_start3A_264 : memref<1x80x128xf32, #tpu.memory_space<vmem>> -> memref<80x128xf32, #tpu.memory_space<vmem>>
        %dma_start3A_266 = arith.constant 0 : i32
        %dma_start3A_267 = tpu.memref_slice %arg2[%add3A_260, %dma_start3A_266] : memref<320000x128xf32, #tpu.memory_space<hbm>> -> memref<80x128xf32, #tpu.memory_space<hbm>>
        %dma_start3A_268 = arith.constant 0 : i32
        %dma_start3A_269 = arith.constant 0 : i32
        %dma_start3A_270 = tpu.memref_slice %arg7[%dma_start3A_261, %dma_start3A_268, %dma_start3A_269] : memref<3x80x128xf32, #tpu.memory_space<vmem>> -> memref<1x80x128xf32, #tpu.memory_space<vmem>>
        %dma_start3A_271 = tpu.memref_squeeze %dma_start3A_270 : memref<1x80x128xf32, #tpu.memory_space<vmem>> -> memref<80x128xf32, #tpu.memory_space<vmem>>
        %dma_start3A_272 = arith.constant 0 : i32
        %dma_start3A_273 = tpu.memref_slice %arg2[%add3A_260, %dma_start3A_272] : memref<320000x128xf32, #tpu.memory_space<hbm>> -> memref<80x128xf32, #tpu.memory_space<hbm>>
        tpu.enqueue_dma source(%dma_start3A_273 : memref<80x128xf32, #tpu.memory_space<hbm>>) target(%dma_start3A_271 : memref<80x128xf32, #tpu.memory_space<vmem>>) target_semaphore(%arg9 : memref<!tpu.dma_semaphore, #tpu.memory_space<semaphore_mem>>)
      } else {
      }
      %add3A_174 = arith.constant 1 : i32
      %add3A_175 = arith.addi %add3A_136, %add3A_174 : i32
      %dma_wait3A_176 = arith.constant 1 : i32
      %dma_wait3A_177 = arith.constant 0 : i32
      %dma_wait3A_178 = arith.constant 0 : i32
      %dma_wait3A_179 = tpu.memref_slice %arg7[%dma_wait3A_176, %dma_wait3A_177, %dma_wait3A_178] : memref<3x80x128xf32, #tpu.memory_space<vmem>> -> memref<1x80x128xf32, #tpu.memory_space<vmem>>
      %dma_wait3A_180 = tpu.memref_squeeze %dma_wait3A_179 : memref<1x80x128xf32, #tpu.memory_space<vmem>> -> memref<80x128xf32, #tpu.memory_space<vmem>>
      %dma_wait3A_181 = arith.constant 0 : i32
      %dma_wait3A_182 = arith.constant 0 : i32
      %dma_wait3A_183 = tpu.memref_slice %arg2[%dma_wait3A_181, %dma_wait3A_182] : memref<320000x128xf32, #tpu.memory_space<hbm>> -> memref<80x128xf32, #tpu.memory_space<hbm>>
      %dma_wait3A_184 = arith.constant 0 : i32
      %dma_wait3A_185 = arith.constant 0 : i32
      %dma_wait3A_186 = tpu.memref_slice %arg7[%dma_wait3A_176, %dma_wait3A_184, %dma_wait3A_185] : memref<3x80x128xf32, #tpu.memory_space<vmem>> -> memref<1x80x128xf32, #tpu.memory_space<vmem>>
      %dma_wait3A_187 = tpu.memref_squeeze %dma_wait3A_186 : memref<1x80x128xf32, #tpu.memory_space<vmem>> -> memref<80x128xf32, #tpu.memory_space<vmem>>
      %dma_wait3A_188 = arith.constant 0 : i32
      %dma_wait3A_189 = arith.constant 0 : i32
      %dma_wait3A_190 = tpu.memref_slice %arg2[%dma_wait3A_188, %dma_wait3A_189] : memref<320000x128xf32, #tpu.memory_space<hbm>> -> memref<80x128xf32, #tpu.memory_space<hbm>>
      tpu.wait_dma2 semaphore(%arg9 : memref<!tpu.dma_semaphore, #tpu.memory_space<semaphore_mem>>) src(%dma_wait3A_190 : memref<80x128xf32, #tpu.memory_space<hbm>>) dst(%dma_wait3A_187 : memref<80x128xf32, #tpu.memory_space<vmem>>)
      %dma_start3A_191 = arith.constant 1 : i32
      %dma_start3A_192 = arith.constant 0 : i32
      %dma_start3A_193 = arith.constant 0 : i32
      %dma_start3A_194 = tpu.memref_slice %arg7[%dma_start3A_191, %dma_start3A_192, %dma_start3A_193] : memref<3x80x128xf32, #tpu.memory_space<vmem>> -> memref<1x80x128xf32, #tpu.memory_space<vmem>>
      %dma_start3A_195 = tpu.memref_squeeze %dma_start3A_194 : memref<1x80x128xf32, #tpu.memory_space<vmem>> -> memref<80x128xf32, #tpu.memory_space<vmem>>
      %dma_start3A_196 = arith.constant 0 : i32
      %dma_start3A_197 = tpu.memref_slice %arg6[%add3A_175, %dma_start3A_196] : memref<125x80xi32, #tpu.memory_space<vmem>> -> memref<1x80xi32, #tpu.memory_space<vmem>>
      %dma_start3A_198 = tpu.memref_squeeze %dma_start3A_197 : memref<1x80xi32, #tpu.memory_space<vmem>> -> memref<80xi32, #tpu.memory_space<vmem>>
      %dma_start3A_199 = arith.constant 0 : i32
      %dma_start3A_200 = arith.constant 0 : i32
      %dma_start3A_201 = tpu.memref_slice %arg8[%dma_start3A_199, %dma_start3A_200] : memref<10240x128xf32, #tpu.memory_space<vmem_shared>> -> memref<10240x128xf32, #tpu.memory_space<vmem_shared>>
      tpu.enqueue_indirect_dma source(%dma_start3A_195 : memref<80x128xf32, #tpu.memory_space<vmem>>) target(%dma_start3A_201 : memref<10240x128xf32, #tpu.memory_space<vmem_shared>>) offsets(%dma_start3A_198 : memref<80xi32, #tpu.memory_space<vmem>>) semaphore(%arg10 : memref<!tpu.dma_semaphore, #tpu.memory_space<semaphore_mem>>) {add = true}
      %ge3A_202 = arith.constant 1 : i32
      %ge3A_203 = arith.cmpi sge, %add3A_175, %ge3A_202 : i32
      %convert_element_type3A_204 = arith.extui %ge3A_203 : i1 to i32
      %cond3A_205 = arith.constant 0 : i32
      %cond3A_206 = arith.cmpi ne, %convert_element_type3A_204, %cond3A_205 : i32
      scf.if %cond3A_206 {
        %dma_wait3A_258 = arith.constant 0 : i32
        %dma_wait3A_259 = arith.constant 0 : i32
        %dma_wait3A_260 = arith.constant 0 : i32
        %dma_wait3A_261 = arith.constant 0 : i32
        %dma_wait3A_262 = tpu.memref_slice %arg7[%dma_wait3A_258, %dma_wait3A_260, %dma_wait3A_261] : memref<3x80x128xf32, #tpu.memory_space<vmem>> -> memref<1x80x128xf32, #tpu.memory_space<vmem>>
        %dma_wait3A_263 = tpu.memref_squeeze %dma_wait3A_262 : memref<1x80x128xf32, #tpu.memory_space<vmem>> -> memref<80x128xf32, #tpu.memory_space<vmem>>
        %dma_wait3A_264 = arith.constant 0 : i32
        %dma_wait3A_265 = tpu.memref_slice %arg6[%dma_wait3A_259, %dma_wait3A_264] : memref<125x80xi32, #tpu.memory_space<vmem>> -> memref<1x80xi32, #tpu.memory_space<vmem>>
        %dma_wait3A_266 = tpu.memref_squeeze %dma_wait3A_265 : memref<1x80xi32, #tpu.memory_space<vmem>> -> memref<80xi32, #tpu.memory_space<vmem>>
        %dma_wait3A_267 = arith.constant 0 : i32
        %dma_wait3A_268 = arith.constant 0 : i32
        %dma_wait3A_269 = tpu.memref_slice %arg8[%dma_wait3A_267, %dma_wait3A_268] : memref<10240x128xf32, #tpu.memory_space<vmem_shared>> -> memref<10240x128xf32, #tpu.memory_space<vmem_shared>>
        tpu.wait_indirect_dma semaphore(%arg10 : memref<!tpu.dma_semaphore, #tpu.memory_space<semaphore_mem>>) src(%dma_wait3A_263 : memref<80x128xf32, #tpu.memory_space<vmem>>) dst(%dma_wait3A_269 : memref<10240x128xf32, #tpu.memory_space<vmem_shared>>)
      } else {
      }
      %add3A_207 = arith.constant 3 : i32
      %add3A_208 = arith.addi %add3A_175, %add3A_207 : i32
      %sub3A_209 = arith.constant 1 : i32
      %sub3A_210 = arith.subi %add3A_208, %sub3A_209 : i32
      %lt3A_211 = arith.constant 125 : i32
      %lt3A_212 = arith.cmpi slt, %sub3A_210, %lt3A_211 : i32
      %convert_element_type3A_213 = arith.extui %lt3A_212 : i1 to i32
      %cond3A_214 = arith.constant 0 : i32
      %cond3A_215 = arith.cmpi ne, %convert_element_type3A_213, %cond3A_214 : i32
      scf.if %cond3A_215 {
        %mul3A_258 = arith.constant 80 : i32
        %mul3A_259 = arith.muli %sub3A_210, %mul3A_258 : i32
        %add3A_260 = arith.addi %mul3A_2, %mul3A_259 : i32
        %dma_start3A_261 = arith.constant 0 : i32
        %dma_start3A_262 = arith.constant 0 : i32
        %dma_start3A_263 = arith.constant 0 : i32
        %dma_start3A_264 = tpu.memref_slice %arg7[%dma_start3A_261, %dma_start3A_262, %dma_start3A_263] : memref<3x80x128xf32, #tpu.memory_space<vmem>> -> memref<1x80x128xf32, #tpu.memory_space<vmem>>
        %dma_start3A_265 = tpu.memref_squeeze %dma_start3A_264 : memref<1x80x128xf32, #tpu.memory_space<vmem>> -> memref<80x128xf32, #tpu.memory_space<vmem>>
        %dma_start3A_266 = arith.constant 0 : i32
        %dma_start3A_267 = tpu.memref_slice %arg2[%add3A_260, %dma_start3A_266] : memref<320000x128xf32, #tpu.memory_space<hbm>> -> memref<80x128xf32, #tpu.memory_space<hbm>>
        %dma_start3A_268 = arith.constant 0 : i32
        %dma_start3A_269 = arith.constant 0 : i32
        %dma_start3A_270 = tpu.memref_slice %arg7[%dma_start3A_261, %dma_start3A_268, %dma_start3A_269] : memref<3x80x128xf32, #tpu.memory_space<vmem>> -> memref<1x80x128xf32, #tpu.memory_space<vmem>>
        %dma_start3A_271 = tpu.memref_squeeze %dma_start3A_270 : memref<1x80x128xf32, #tpu.memory_space<vmem>> -> memref<80x128xf32, #tpu.memory_space<vmem>>
        %dma_start3A_272 = arith.constant 0 : i32
        %dma_start3A_273 = tpu.memref_slice %arg2[%add3A_260, %dma_start3A_272] : memref<320000x128xf32, #tpu.memory_space<hbm>> -> memref<80x128xf32, #tpu.memory_space<hbm>>
        tpu.enqueue_dma source(%dma_start3A_273 : memref<80x128xf32, #tpu.memory_space<hbm>>) target(%dma_start3A_271 : memref<80x128xf32, #tpu.memory_space<vmem>>) target_semaphore(%arg9 : memref<!tpu.dma_semaphore, #tpu.memory_space<semaphore_mem>>)
      } else {
      }
      %add3A_216 = arith.constant 2 : i32
      %add3A_217 = arith.addi %add3A_136, %add3A_216 : i32
      %dma_wait3A_218 = arith.constant 2 : i32
      %dma_wait3A_219 = arith.constant 0 : i32
      %dma_wait3A_220 = arith.constant 0 : i32
      %dma_wait3A_221 = tpu.memref_slice %arg7[%dma_wait3A_218, %dma_wait3A_219, %dma_wait3A_220] : memref<3x80x128xf32, #tpu.memory_space<vmem>> -> memref<1x80x128xf32, #tpu.memory_space<vmem>>
      %dma_wait3A_222 = tpu.memref_squeeze %dma_wait3A_221 : memref<1x80x128xf32, #tpu.memory_space<vmem>> -> memref<80x128xf32, #tpu.memory_space<vmem>>
      %dma_wait3A_223 = arith.constant 0 : i32
      %dma_wait3A_224 = arith.constant 0 : i32
      %dma_wait3A_225 = tpu.memref_slice %arg2[%dma_wait3A_223, %dma_wait3A_224] : memref<320000x128xf32, #tpu.memory_space<hbm>> -> memref<80x128xf32, #tpu.memory_space<hbm>>
      %dma_wait3A_226 = arith.constant 0 : i32
      %dma_wait3A_227 = arith.constant 0 : i32
      %dma_wait3A_228 = tpu.memref_slice %arg7[%dma_wait3A_218, %dma_wait3A_226, %dma_wait3A_227] : memref<3x80x128xf32, #tpu.memory_space<vmem>> -> memref<1x80x128xf32, #tpu.memory_space<vmem>>
      %dma_wait3A_229 = tpu.memref_squeeze %dma_wait3A_228 : memref<1x80x128xf32, #tpu.memory_space<vmem>> -> memref<80x128xf32, #tpu.memory_space<vmem>>
      %dma_wait3A_230 = arith.constant 0 : i32
      %dma_wait3A_231 = arith.constant 0 : i32
      %dma_wait3A_232 = tpu.memref_slice %arg2[%dma_wait3A_230, %dma_wait3A_231] : memref<320000x128xf32, #tpu.memory_space<hbm>> -> memref<80x128xf32, #tpu.memory_space<hbm>>
      tpu.wait_dma2 semaphore(%arg9 : memref<!tpu.dma_semaphore, #tpu.memory_space<semaphore_mem>>) src(%dma_wait3A_232 : memref<80x128xf32, #tpu.memory_space<hbm>>) dst(%dma_wait3A_229 : memref<80x128xf32, #tpu.memory_space<vmem>>)
      %dma_start3A_233 = arith.constant 2 : i32
      %dma_start3A_234 = arith.constant 0 : i32
      %dma_start3A_235 = arith.constant 0 : i32
      %dma_start3A_236 = tpu.memref_slice %arg7[%dma_start3A_233, %dma_start3A_234, %dma_start3A_235] : memref<3x80x128xf32, #tpu.memory_space<vmem>> -> memref<1x80x128xf32, #tpu.memory_space<vmem>>
      %dma_start3A_237 = tpu.memref_squeeze %dma_start3A_236 : memref<1x80x128xf32, #tpu.memory_space<vmem>> -> memref<80x128xf32, #tpu.memory_space<vmem>>
      %dma_start3A_238 = arith.constant 0 : i32
      %dma_start3A_239 = tpu.memref_slice %arg6[%add3A_217, %dma_start3A_238] : memref<125x80xi32, #tpu.memory_space<vmem>> -> memref<1x80xi32, #tpu.memory_space<vmem>>
      %dma_start3A_240 = tpu.memref_squeeze %dma_start3A_239 : memref<1x80xi32, #tpu.memory_space<vmem>> -> memref<80xi32, #tpu.memory_space<vmem>>
      %dma_start3A_241 = arith.constant 0 : i32
      %dma_start3A_242 = arith.constant 0 : i32
      %dma_start3A_243 = tpu.memref_slice %arg8[%dma_start3A_241, %dma_start3A_242] : memref<10240x128xf32, #tpu.memory_space<vmem_shared>> -> memref<10240x128xf32, #tpu.memory_space<vmem_shared>>
      tpu.enqueue_indirect_dma source(%dma_start3A_237 : memref<80x128xf32, #tpu.memory_space<vmem>>) target(%dma_start3A_243 : memref<10240x128xf32, #tpu.memory_space<vmem_shared>>) offsets(%dma_start3A_240 : memref<80xi32, #tpu.memory_space<vmem>>) semaphore(%arg10 : memref<!tpu.dma_semaphore, #tpu.memory_space<semaphore_mem>>) {add = true}
      %ge3A_244 = arith.constant 1 : i32
      %ge3A_245 = arith.cmpi sge, %add3A_217, %ge3A_244 : i32
      %convert_element_type3A_246 = arith.extui %ge3A_245 : i1 to i32
      %cond3A_247 = arith.constant 0 : i32
      %cond3A_248 = arith.cmpi ne, %convert_element_type3A_246, %cond3A_247 : i32
      scf.if %cond3A_248 {
        %dma_wait3A_258 = arith.constant 0 : i32
        %dma_wait3A_259 = arith.constant 0 : i32
        %dma_wait3A_260 = arith.constant 0 : i32
        %dma_wait3A_261 = arith.constant 0 : i32
        %dma_wait3A_262 = tpu.memref_slice %arg7[%dma_wait3A_258, %dma_wait3A_260, %dma_wait3A_261] : memref<3x80x128xf32, #tpu.memory_space<vmem>> -> memref<1x80x128xf32, #tpu.memory_space<vmem>>
        %dma_wait3A_263 = tpu.memref_squeeze %dma_wait3A_262 : memref<1x80x128xf32, #tpu.memory_space<vmem>> -> memref<80x128xf32, #tpu.memory_space<vmem>>
        %dma_wait3A_264 = arith.constant 0 : i32
        %dma_wait3A_265 = tpu.memref_slice %arg6[%dma_wait3A_259, %dma_wait3A_264] : memref<125x80xi32, #tpu.memory_space<vmem>> -> memref<1x80xi32, #tpu.memory_space<vmem>>
        %dma_wait3A_266 = tpu.memref_squeeze %dma_wait3A_265 : memref<1x80xi32, #tpu.memory_space<vmem>> -> memref<80xi32, #tpu.memory_space<vmem>>
        %dma_wait3A_267 = arith.constant 0 : i32
        %dma_wait3A_268 = arith.constant 0 : i32
        %dma_wait3A_269 = tpu.memref_slice %arg8[%dma_wait3A_267, %dma_wait3A_268] : memref<10240x128xf32, #tpu.memory_space<vmem_shared>> -> memref<10240x128xf32, #tpu.memory_space<vmem_shared>>
        tpu.wait_indirect_dma semaphore(%arg10 : memref<!tpu.dma_semaphore, #tpu.memory_space<semaphore_mem>>) src(%dma_wait3A_263 : memref<80x128xf32, #tpu.memory_space<vmem>>) dst(%dma_wait3A_269 : memref<10240x128xf32, #tpu.memory_space<vmem_shared>>)
      } else {
      }
      %add3A_249 = arith.constant 3 : i32
      %add3A_250 = arith.addi %add3A_217, %add3A_249 : i32
      %sub3A_251 = arith.constant 1 : i32
      %sub3A_252 = arith.subi %add3A_250, %sub3A_251 : i32
      %lt3A_253 = arith.constant 125 : i32
      %lt3A_254 = arith.cmpi slt, %sub3A_252, %lt3A_253 : i32
      %convert_element_type3A_255 = arith.extui %lt3A_254 : i1 to i32
      %cond3A_256 = arith.constant 0 : i32
      %cond3A_257 = arith.cmpi ne, %convert_element_type3A_255, %cond3A_256 : i32
      scf.if %cond3A_257 {
        %mul3A_258 = arith.constant 80 : i32
        %mul3A_259 = arith.muli %sub3A_252, %mul3A_258 : i32
        %add3A_260 = arith.addi %mul3A_2, %mul3A_259 : i32
        %dma_start3A_261 = arith.constant 1 : i32
        %dma_start3A_262 = arith.constant 0 : i32
        %dma_start3A_263 = arith.constant 0 : i32
        %dma_start3A_264 = tpu.memref_slice %arg7[%dma_start3A_261, %dma_start3A_262, %dma_start3A_263] : memref<3x80x128xf32, #tpu.memory_space<vmem>> -> memref<1x80x128xf32, #tpu.memory_space<vmem>>
        %dma_start3A_265 = tpu.memref_squeeze %dma_start3A_264 : memref<1x80x128xf32, #tpu.memory_space<vmem>> -> memref<80x128xf32, #tpu.memory_space<vmem>>
        %dma_start3A_266 = arith.constant 0 : i32
        %dma_start3A_267 = tpu.memref_slice %arg2[%add3A_260, %dma_start3A_266] : memref<320000x128xf32, #tpu.memory_space<hbm>> -> memref<80x128xf32, #tpu.memory_space<hbm>>
        %dma_start3A_268 = arith.constant 0 : i32
        %dma_start3A_269 = arith.constant 0 : i32
        %dma_start3A_270 = tpu.memref_slice %arg7[%dma_start3A_261, %dma_start3A_268, %dma_start3A_269] : memref<3x80x128xf32, #tpu.memory_space<vmem>> -> memref<1x80x128xf32, #tpu.memory_space<vmem>>
        %dma_start3A_271 = tpu.memref_squeeze %dma_start3A_270 : memref<1x80x128xf32, #tpu.memory_space<vmem>> -> memref<80x128xf32, #tpu.memory_space<vmem>>
        %dma_start3A_272 = arith.constant 0 : i32
        %dma_start3A_273 = tpu.memref_slice %arg2[%add3A_260, %dma_start3A_272] : memref<320000x128xf32, #tpu.memory_space<hbm>> -> memref<80x128xf32, #tpu.memory_space<hbm>>
        tpu.enqueue_dma source(%dma_start3A_273 : memref<80x128xf32, #tpu.memory_space<hbm>>) target(%dma_start3A_271 : memref<80x128xf32, #tpu.memory_space<vmem>>) target_semaphore(%arg9 : memref<!tpu.dma_semaphore, #tpu.memory_space<semaphore_mem>>)
      } else {
      }
    }
    %scan3A_37 = arith.constant 41 : i32
    %dma_wait3A = arith.constant 0 : i32
    %dma_wait3A_38 = arith.constant 0 : i32
    %dma_wait3A_39 = arith.constant 0 : i32
    %dma_wait3A_40 = tpu.memref_slice %arg7[%dma_wait3A, %dma_wait3A_38, %dma_wait3A_39] : memref<3x80x128xf32, #tpu.memory_space<vmem>> -> memref<1x80x128xf32, #tpu.memory_space<vmem>>
    %dma_wait3A_41 = tpu.memref_squeeze %dma_wait3A_40 : memref<1x80x128xf32, #tpu.memory_space<vmem>> -> memref<80x128xf32, #tpu.memory_space<vmem>>
    %dma_wait3A_42 = arith.constant 0 : i32
    %dma_wait3A_43 = arith.constant 0 : i32
    %dma_wait3A_44 = tpu.memref_slice %arg2[%dma_wait3A_42, %dma_wait3A_43] : memref<320000x128xf32, #tpu.memory_space<hbm>> -> memref<80x128xf32, #tpu.memory_space<hbm>>
    %dma_wait3A_45 = arith.constant 0 : i32
    %dma_wait3A_46 = arith.constant 0 : i32
    %dma_wait3A_47 = tpu.memref_slice %arg7[%dma_wait3A, %dma_wait3A_45, %dma_wait3A_46] : memref<3x80x128xf32, #tpu.memory_space<vmem>> -> memref<1x80x128xf32, #tpu.memory_space<vmem>>
    %dma_wait3A_48 = tpu.memref_squeeze %dma_wait3A_47 : memref<1x80x128xf32, #tpu.memory_space<vmem>> -> memref<80x128xf32, #tpu.memory_space<vmem>>
    %dma_wait3A_49 = arith.constant 0 : i32
    %dma_wait3A_50 = arith.constant 0 : i32
    %dma_wait3A_51 = tpu.memref_slice %arg2[%dma_wait3A_49, %dma_wait3A_50] : memref<320000x128xf32, #tpu.memory_space<hbm>> -> memref<80x128xf32, #tpu.memory_space<hbm>>
    tpu.wait_dma2 semaphore(%arg9 : memref<!tpu.dma_semaphore, #tpu.memory_space<semaphore_mem>>) src(%dma_wait3A_51 : memref<80x128xf32, #tpu.memory_space<hbm>>) dst(%dma_wait3A_48 : memref<80x128xf32, #tpu.memory_space<vmem>>)
    %dma_start3A_52 = arith.constant 0 : i32
    %dma_start3A_53 = arith.constant 123 : i32
    %dma_start3A_54 = arith.constant 0 : i32
    %dma_start3A_55 = arith.constant 0 : i32
    %dma_start3A_56 = tpu.memref_slice %arg7[%dma_start3A_52, %dma_start3A_54, %dma_start3A_55] : memref<3x80x128xf32, #tpu.memory_space<vmem>> -> memref<1x80x128xf32, #tpu.memory_space<vmem>>
    %dma_start3A_57 = tpu.memref_squeeze %dma_start3A_56 : memref<1x80x128xf32, #tpu.memory_space<vmem>> -> memref<80x128xf32, #tpu.memory_space<vmem>>
    %dma_start3A_58 = arith.constant 0 : i32
    %dma_start3A_59 = tpu.memref_slice %arg6[%dma_start3A_53, %dma_start3A_58] : memref<125x80xi32, #tpu.memory_space<vmem>> -> memref<1x80xi32, #tpu.memory_space<vmem>>
    %dma_start3A_60 = tpu.memref_squeeze %dma_start3A_59 : memref<1x80xi32, #tpu.memory_space<vmem>> -> memref<80xi32, #tpu.memory_space<vmem>>
    %dma_start3A_61 = arith.constant 0 : i32
    %dma_start3A_62 = arith.constant 0 : i32
    %dma_start3A_63 = tpu.memref_slice %arg8[%dma_start3A_61, %dma_start3A_62] : memref<10240x128xf32, #tpu.memory_space<vmem_shared>> -> memref<10240x128xf32, #tpu.memory_space<vmem_shared>>
    tpu.enqueue_indirect_dma source(%dma_start3A_57 : memref<80x128xf32, #tpu.memory_space<vmem>>) target(%dma_start3A_63 : memref<10240x128xf32, #tpu.memory_space<vmem_shared>>) offsets(%dma_start3A_60 : memref<80xi32, #tpu.memory_space<vmem>>) semaphore(%arg10 : memref<!tpu.dma_semaphore, #tpu.memory_space<semaphore_mem>>) {add = true}
    %dma_wait3A_64 = arith.constant 0 : i32
    %dma_wait3A_65 = arith.constant 0 : i32
    %dma_wait3A_66 = arith.constant 0 : i32
    %dma_wait3A_67 = arith.constant 0 : i32
    %dma_wait3A_68 = tpu.memref_slice %arg7[%dma_wait3A_64, %dma_wait3A_66, %dma_wait3A_67] : memref<3x80x128xf32, #tpu.memory_space<vmem>> -> memref<1x80x128xf32, #tpu.memory_space<vmem>>
    %dma_wait3A_69 = tpu.memref_squeeze %dma_wait3A_68 : memref<1x80x128xf32, #tpu.memory_space<vmem>> -> memref<80x128xf32, #tpu.memory_space<vmem>>
    %dma_wait3A_70 = arith.constant 0 : i32
    %dma_wait3A_71 = tpu.memref_slice %arg6[%dma_wait3A_65, %dma_wait3A_70] : memref<125x80xi32, #tpu.memory_space<vmem>> -> memref<1x80xi32, #tpu.memory_space<vmem>>
    %dma_wait3A_72 = tpu.memref_squeeze %dma_wait3A_71 : memref<1x80xi32, #tpu.memory_space<vmem>> -> memref<80xi32, #tpu.memory_space<vmem>>
    %dma_wait3A_73 = arith.constant 0 : i32
    %dma_wait3A_74 = arith.constant 0 : i32
    %dma_wait3A_75 = tpu.memref_slice %arg8[%dma_wait3A_73, %dma_wait3A_74] : memref<10240x128xf32, #tpu.memory_space<vmem_shared>> -> memref<10240x128xf32, #tpu.memory_space<vmem_shared>>
    tpu.wait_indirect_dma semaphore(%arg10 : memref<!tpu.dma_semaphore, #tpu.memory_space<semaphore_mem>>) src(%dma_wait3A_69 : memref<80x128xf32, #tpu.memory_space<vmem>>) dst(%dma_wait3A_75 : memref<10240x128xf32, #tpu.memory_space<vmem_shared>>)
    %dma_wait3A_76 = arith.constant 1 : i32
    %dma_wait3A_77 = arith.constant 0 : i32
    %dma_wait3A_78 = arith.constant 0 : i32
    %dma_wait3A_79 = tpu.memref_slice %arg7[%dma_wait3A_76, %dma_wait3A_77, %dma_wait3A_78] : memref<3x80x128xf32, #tpu.memory_space<vmem>> -> memref<1x80x128xf32, #tpu.memory_space<vmem>>
    %dma_wait3A_80 = tpu.memref_squeeze %dma_wait3A_79 : memref<1x80x128xf32, #tpu.memory_space<vmem>> -> memref<80x128xf32, #tpu.memory_space<vmem>>
    %dma_wait3A_81 = arith.constant 0 : i32
    %dma_wait3A_82 = arith.constant 0 : i32
    %dma_wait3A_83 = tpu.memref_slice %arg2[%dma_wait3A_81, %dma_wait3A_82] : memref<320000x128xf32, #tpu.memory_space<hbm>> -> memref<80x128xf32, #tpu.memory_space<hbm>>
    %dma_wait3A_84 = arith.constant 0 : i32
    %dma_wait3A_85 = arith.constant 0 : i32
    %dma_wait3A_86 = tpu.memref_slice %arg7[%dma_wait3A_76, %dma_wait3A_84, %dma_wait3A_85] : memref<3x80x128xf32, #tpu.memory_space<vmem>> -> memref<1x80x128xf32, #tpu.memory_space<vmem>>
    %dma_wait3A_87 = tpu.memref_squeeze %dma_wait3A_86 : memref<1x80x128xf32, #tpu.memory_space<vmem>> -> memref<80x128xf32, #tpu.memory_space<vmem>>
    %dma_wait3A_88 = arith.constant 0 : i32
    %dma_wait3A_89 = arith.constant 0 : i32
    %dma_wait3A_90 = tpu.memref_slice %arg2[%dma_wait3A_88, %dma_wait3A_89] : memref<320000x128xf32, #tpu.memory_space<hbm>> -> memref<80x128xf32, #tpu.memory_space<hbm>>
    tpu.wait_dma2 semaphore(%arg9 : memref<!tpu.dma_semaphore, #tpu.memory_space<semaphore_mem>>) src(%dma_wait3A_90 : memref<80x128xf32, #tpu.memory_space<hbm>>) dst(%dma_wait3A_87 : memref<80x128xf32, #tpu.memory_space<vmem>>)
    %dma_start3A_91 = arith.constant 1 : i32
    %dma_start3A_92 = arith.constant 124 : i32
    %dma_start3A_93 = arith.constant 0 : i32
    %dma_start3A_94 = arith.constant 0 : i32
    %dma_start3A_95 = tpu.memref_slice %arg7[%dma_start3A_91, %dma_start3A_93, %dma_start3A_94] : memref<3x80x128xf32, #tpu.memory_space<vmem>> -> memref<1x80x128xf32, #tpu.memory_space<vmem>>
    %dma_start3A_96 = tpu.memref_squeeze %dma_start3A_95 : memref<1x80x128xf32, #tpu.memory_space<vmem>> -> memref<80x128xf32, #tpu.memory_space<vmem>>
    %dma_start3A_97 = arith.constant 0 : i32
    %dma_start3A_98 = tpu.memref_slice %arg6[%dma_start3A_92, %dma_start3A_97] : memref<125x80xi32, #tpu.memory_space<vmem>> -> memref<1x80xi32, #tpu.memory_space<vmem>>
    %dma_start3A_99 = tpu.memref_squeeze %dma_start3A_98 : memref<1x80xi32, #tpu.memory_space<vmem>> -> memref<80xi32, #tpu.memory_space<vmem>>
    %dma_start3A_100 = arith.constant 0 : i32
    %dma_start3A_101 = arith.constant 0 : i32
    %dma_start3A_102 = tpu.memref_slice %arg8[%dma_start3A_100, %dma_start3A_101] : memref<10240x128xf32, #tpu.memory_space<vmem_shared>> -> memref<10240x128xf32, #tpu.memory_space<vmem_shared>>
    tpu.enqueue_indirect_dma source(%dma_start3A_96 : memref<80x128xf32, #tpu.memory_space<vmem>>) target(%dma_start3A_102 : memref<10240x128xf32, #tpu.memory_space<vmem_shared>>) offsets(%dma_start3A_99 : memref<80xi32, #tpu.memory_space<vmem>>) semaphore(%arg10 : memref<!tpu.dma_semaphore, #tpu.memory_space<semaphore_mem>>) {add = true}
    %dma_wait3A_103 = arith.constant 0 : i32
    %dma_wait3A_104 = arith.constant 0 : i32
    %dma_wait3A_105 = arith.constant 0 : i32
    %dma_wait3A_106 = arith.constant 0 : i32
    %dma_wait3A_107 = tpu.memref_slice %arg7[%dma_wait3A_103, %dma_wait3A_105, %dma_wait3A_106] : memref<3x80x128xf32, #tpu.memory_space<vmem>> -> memref<1x80x128xf32, #tpu.memory_space<vmem>>
    %dma_wait3A_108 = tpu.memref_squeeze %dma_wait3A_107 : memref<1x80x128xf32, #tpu.memory_space<vmem>> -> memref<80x128xf32, #tpu.memory_space<vmem>>
    %dma_wait3A_109 = arith.constant 0 : i32
    %dma_wait3A_110 = tpu.memref_slice %arg6[%dma_wait3A_104, %dma_wait3A_109] : memref<125x80xi32, #tpu.memory_space<vmem>> -> memref<1x80xi32, #tpu.memory_space<vmem>>
    %dma_wait3A_111 = tpu.memref_squeeze %dma_wait3A_110 : memref<1x80xi32, #tpu.memory_space<vmem>> -> memref<80xi32, #tpu.memory_space<vmem>>
    %dma_wait3A_112 = arith.constant 0 : i32
    %dma_wait3A_113 = arith.constant 0 : i32
    %dma_wait3A_114 = tpu.memref_slice %arg8[%dma_wait3A_112, %dma_wait3A_113] : memref<10240x128xf32, #tpu.memory_space<vmem_shared>> -> memref<10240x128xf32, #tpu.memory_space<vmem_shared>>
    tpu.wait_indirect_dma semaphore(%arg10 : memref<!tpu.dma_semaphore, #tpu.memory_space<semaphore_mem>>) src(%dma_wait3A_108 : memref<80x128xf32, #tpu.memory_space<vmem>>) dst(%dma_wait3A_114 : memref<10240x128xf32, #tpu.memory_space<vmem_shared>>)
    %dma_wait3A_115 = arith.constant 0 : i32
    %dma_wait3A_116 = arith.constant 0 : i32
    %dma_wait3A_117 = arith.constant 0 : i32
    %dma_wait3A_118 = arith.constant 0 : i32
    %dma_wait3A_119 = tpu.memref_slice %arg7[%dma_wait3A_115, %dma_wait3A_117, %dma_wait3A_118] : memref<3x80x128xf32, #tpu.memory_space<vmem>> -> memref<1x80x128xf32, #tpu.memory_space<vmem>>
    %dma_wait3A_120 = tpu.memref_squeeze %dma_wait3A_119 : memref<1x80x128xf32, #tpu.memory_space<vmem>> -> memref<80x128xf32, #tpu.memory_space<vmem>>
    %dma_wait3A_121 = arith.constant 0 : i32
    %dma_wait3A_122 = tpu.memref_slice %arg6[%dma_wait3A_116, %dma_wait3A_121] : memref<125x80xi32, #tpu.memory_space<vmem>> -> memref<1x80xi32, #tpu.memory_space<vmem>>
    %dma_wait3A_123 = tpu.memref_squeeze %dma_wait3A_122 : memref<1x80xi32, #tpu.memory_space<vmem>> -> memref<80xi32, #tpu.memory_space<vmem>>
    %dma_wait3A_124 = arith.constant 0 : i32
    %dma_wait3A_125 = arith.constant 0 : i32
    %dma_wait3A_126 = tpu.memref_slice %arg8[%dma_wait3A_124, %dma_wait3A_125] : memref<10240x128xf32, #tpu.memory_space<vmem_shared>> -> memref<10240x128xf32, #tpu.memory_space<vmem_shared>>
    tpu.wait_indirect_dma semaphore(%arg10 : memref<!tpu.dma_semaphore, #tpu.memory_space<semaphore_mem>>) src(%dma_wait3A_120 : memref<80x128xf32, #tpu.memory_space<vmem>>) dst(%dma_wait3A_126 : memref<10240x128xf32, #tpu.memory_space<vmem_shared>>)
    %barrier3A_127 = arith.constant 0 : index
    tpu.barrier barrier_id(%barrier3A_127)
    %mul3A_128 = arith.constant 640 : i32
    %mul3A_129 = arith.muli %arg1, %mul3A_128 : i32
    %mul3A_130 = arith.constant 640 : i32
    %mul3A_131 = arith.muli %arg1, %mul3A_130 : i32
    "tpu.region"() ({
      %run_scoped3A = tpu.sem_alloc : memref<!tpu.dma_semaphore, #tpu.memory_space<semaphore_mem>>
      %dma_start3A_132 = arith.constant 0 : i32
      %dma_start3A_133 = tpu.memref_slice %arg5[%arg0, %mul3A_131, %dma_start3A_132] : memref<2x10240x128xf32, #tpu.memory_space<hbm>> -> memref<1x640x128xf32, #tpu.memory_space<hbm>>
      %dma_start3A_134 = tpu.memref_squeeze %dma_start3A_133 : memref<1x640x128xf32, #tpu.memory_space<hbm>> -> memref<640x128xf32, #tpu.memory_space<hbm>>
      %dma_start3A_135 = arith.constant 0 : i32
      %dma_start3A_136 = tpu.memref_slice %arg8[%mul3A_129, %dma_start3A_135] : memref<10240x128xf32, #tpu.memory_space<vmem_shared>> -> memref<640x128xf32, #tpu.memory_space<vmem_shared>>
      tpu.enqueue_dma source(%dma_start3A_136 : memref<640x128xf32, #tpu.memory_space<vmem_shared>>) target(%dma_start3A_134 : memref<640x128xf32, #tpu.memory_space<hbm>>) target_semaphore(%run_scoped3A : memref<!tpu.dma_semaphore, #tpu.memory_space<semaphore_mem>>)
      %dma_wait3A_137 = arith.constant 0 : i32
      %dma_wait3A_138 = tpu.memref_slice %arg5[%arg0, %mul3A_131, %dma_wait3A_137] : memref<2x10240x128xf32, #tpu.memory_space<hbm>> -> memref<1x640x128xf32, #tpu.memory_space<hbm>>
      %dma_wait3A_139 = tpu.memref_squeeze %dma_wait3A_138 : memref<1x640x128xf32, #tpu.memory_space<hbm>> -> memref<640x128xf32, #tpu.memory_space<hbm>>
      %dma_wait3A_140 = arith.constant 0 : i32
      %dma_wait3A_141 = tpu.memref_slice %arg8[%mul3A_129, %dma_wait3A_140] : memref<10240x128xf32, #tpu.memory_space<vmem_shared>> -> memref<640x128xf32, #tpu.memory_space<vmem_shared>>
      tpu.wait_dma2 semaphore(%run_scoped3A : memref<!tpu.dma_semaphore, #tpu.memory_space<semaphore_mem>>) src(%dma_wait3A_141 : memref<640x128xf32, #tpu.memory_space<vmem_shared>>) dst(%dma_wait3A_139 : memref<640x128xf32, #tpu.memory_space<hbm>>)
      tpu.yield
    }) : () -> ()
    return
  }
}

module attributes {stable_mosaic.version = 14 : i64} {
  func.func @body(%arg0: i32, %arg1: memref<2000x128xf32, #tpu.memory_space<vmem>>, %arg2: memref<2x2000x128xf32, #tpu.memory_space<vmem>>, %arg3: memref<128x256xf32, #tpu.memory_space<vmem>>, %arg4: memref<2000x128xf32, #tpu.memory_space<vmem>>) attributes {dimension_semantics = [#tpu.dimension_semantics<arbitrary>], iteration_bounds = array<i64: 5>, scalar_prefetch = 0 : i64, scratch_operands = 0 : i64, tpu.core_type = #tpu.core_type<tc>, window_params = [{transform_indices = @transform_0, window_bounds = array<i64: 2000, 128>}, {transform_indices = @transform_1, window_bounds = array<i64: 2, 2000, 128>}, {pipeline_mode = #tpu.pipeline_mode<synchronous>, transform_indices = @transform_2, window_bounds = array<i64: 128, 256>}, {transform_indices = @transform_3, window_bounds = array<i64: 2000, 128>}]} {
    %get3A = arith.constant 0 : index
    %get3A_0 = arith.constant 0 : index
    %get3A_1 = arith.constant 0 : index
    %get3A_2 = vector.load %arg2[%get3A, %get3A_0, %get3A_1] : memref<2x2000x128xf32, #tpu.memory_space<vmem>>, vector<1x2000x128xf32>
    %get3A_3 = vector.shape_cast %get3A_2 : vector<1x2000x128xf32> to vector<2000x128xf32>
    %get3A_4 = arith.constant 1 : index
    %get3A_5 = arith.constant 0 : index
    %get3A_6 = arith.constant 0 : index
    %get3A_7 = vector.load %arg2[%get3A_4, %get3A_5, %get3A_6] : memref<2x2000x128xf32, #tpu.memory_space<vmem>>, vector<1x2000x128xf32>
    %get3A_8 = vector.shape_cast %get3A_7 : vector<1x2000x128xf32> to vector<2000x128xf32>
    %add3A = arith.addf %get3A_3, %get3A_8 : vector<2000x128xf32>
    %get3A_9 = arith.constant 0 : index
    %get3A_10 = arith.constant 0 : index
    %get3A_11 = vector.load %arg1[%get3A_9, %get3A_10] : memref<2000x128xf32, #tpu.memory_space<vmem>>, vector<2000x128xf32>
    %get3A_12 = arith.constant 0 : index
    %get3A_13 = arith.constant 0 : index
    %get3A_14 = vector.load %arg3[%get3A_12, %get3A_13] : memref<128x256xf32, #tpu.memory_space<vmem>>, vector<128x128xf32>
    %dot_general3A = arith.constant dense<0.000000e+00> : vector<2000x128xf32>
    %dot_general3A_15 = tpu.matmul %get3A_11, %get3A_14, %dot_general3A {dimension_numbers = #tpu.dot_dimension_numbers<[1], [1], [0], [0], [0, 0, 1, 0], [], []>, transpose_lhs_hint = false} : vector<2000x128xf32>, vector<128x128xf32>, vector<2000x128xf32> -> vector<2000x128xf32>
    %get3A_16 = arith.constant 0 : index
    %get3A_17 = arith.constant 128 : index
    %get3A_18 = vector.load %arg3[%get3A_16, %get3A_17] : memref<128x256xf32, #tpu.memory_space<vmem>>, vector<128x128xf32>
    %dot_general3A_19 = arith.constant dense<0.000000e+00> : vector<2000x128xf32>
    %dot_general3A_20 = tpu.matmul %add3A, %get3A_18, %dot_general3A_19 {dimension_numbers = #tpu.dot_dimension_numbers<[1], [1], [0], [0], [0, 0, 1, 0], [], []>, transpose_lhs_hint = false} : vector<2000x128xf32>, vector<128x128xf32>, vector<2000x128xf32> -> vector<2000x128xf32>
    %add3A_21 = arith.addf %dot_general3A_15, %dot_general3A_20 : vector<2000x128xf32>
    %max3A = arith.constant 0.000000e+00 : f32
    %max3A_22 = vector.broadcast %max3A : f32 to vector<2000x128xf32>
    %max3A_23 = arith.maximumf %add3A_21, %max3A_22 : vector<2000x128xf32>
    %swap3A = arith.constant 0 : index
    %swap3A_24 = arith.constant 0 : index
    %swap3A_25 = vector.load %arg4[%swap3A, %swap3A_24] : memref<2000x128xf32, #tpu.memory_space<vmem>>, vector<2000x128xf32>
    tpu.vector_store %arg4[%swap3A, %swap3A_24], %max3A_23 {strides = array<i32>} : memref<2000x128xf32, #tpu.memory_space<vmem>>, vector<2000x128xf32>,
    return
  }
  func.func @transform_0(%arg0: i32) -> (i32, i32) {
    %c0_i32 = arith.constant 0 : i32
    %c0_i32_0 = arith.constant 0 : i32
    return %arg0, %c0_i32 : i32, i32
  }
  func.func @transform_1(%arg0: i32) -> (i32, i32, i32) {
    %c0_i32 = arith.constant 0 : i32
    %c0_i32_0 = arith.constant 0 : i32
    %c0_i32_1 = arith.constant 0 : i32
    return %c0_i32, %arg0, %c0_i32_0 : i32, i32, i32
  }
  func.func @transform_2(%arg0: i32) -> (i32, i32) {
    %c0_i32 = arith.constant 0 : i32
    %c0_i32_0 = arith.constant 0 : i32
    %c0_i32_1 = arith.constant 0 : i32
    return %c0_i32, %c0_i32_0 : i32, i32
  }
  func.func @transform_3(%arg0: i32) -> (i32, i32) {
    %c0_i32 = arith.constant 0 : i32
    %c0_i32_0 = arith.constant 0 : i32
    return %arg0, %c0_i32 : i32, i32
  }
}

</mosaic_0001>

<sc_bundles>
// kernel: kernel.4.cloned.1.call-start
scs
__scs_entry_jumppad:
0x0: {  	(pc) =	sbr.rel $0x88, $3  }
0x1: {  	(tag) =	ssettag $0x0;
	lr =	simm.s32 $0x1  }
0x2: {  	[smem:$0x3F9D] =	sst lr;
	_ =	strace $0xD0000000  }
0x3: {  	_ = 	snop  }
0x4: {  	_ = 	snop  }
0x5: {  	_ = 	snop  }
0x6: {  	_ = 	snop  }
0x7: {  	_ = 	snop  }
__scs_overlays_trampoline_lowered:
0x8: {  	[smem:$0x3FAC] =	sst s0  }
0x9: {  	[smem:$0x3FAD] =	sst s1  }
0xa: {  	[smem:$0x3FAE] =	sst s2  }
0xb: {  	[smem:$0x3FAF] =	sst s3  }
0xc: {  	[smem:$0x3FB0] =	sst s4  }
0xd: {  	[smem:$0x3FB1] =	sst s5  }
0xe: {  	[smem:$0x3FB2] =	sst s6  }
0xf: {  	[smem:$0x3FB3] =	sst s7  }
0x10: {  	[smem:$0x3FB4] =	sst s8  }
0x11: {  	[smem:$0x3FB5] =	sst s9;
	s0 =	simm.s32 @!p0 $0x0  }
0x12: {  	s1 =	sld [smem:$0x3F9B];
	s0 =	simm.s32 @p0 $0x1  }
0x13: {  	[smem:$0x3FB6] =	sst s0;
	s0 =	simm.s32 @!p1 $0x0  }
0x14: {  	s2 =	sld [smem:$0x3F9A];
	s0 =	simm.s32 @p1 $0x1  }
0x15: {  	[smem:$0x3FB7] =	sst s0;
	s0 =	simm.s32 @!p2 $0x0  }
0x16: {  	s3 =	sld [smem:$0x3FDB];
	s0 =	simm.s32 @p2 $0x1  }
0x17: {  	s4 =	simm.s32 $0x1BF5;
	[smem:$0x3FB9] =	sst s0  }
0x18: {  	s0 =	sld [smem:$0x3F9C];
	_ =	swait.ge [sflag:s4], $0x0  }
0x19: {  	s7 =	sld [smem:$0x3F9D]  }
0x1a: {  	s8 =	sadd.s32 $0xFFFFE003, lr  }
0x1b: {  	s9 =	sadd.s32 $0xFFFFFEF7, lr;
	s5 =	simm.s32 $0xFFFFFFFF;
	p2 =	slt.u32 s8, $0xFFFFF086  }
0x1c: {  	p1 =	slt.u32 s9, $0xF7A;
	s5 =	simm.s32 @!p2 $0x0  }
0x1d: {  	s5 =	simm.s32 @p1 $0x1;
	p0 =	seq.s32 s7, s2  }
0x1e: {  	s7 =	smul.u32 @!p0 $0xF7A, s2;
	p2 =	seq.s32 @!p0 s5, $0x0  }
0x1f: {  	s9 =	smul.u32 $0xF7A, s1;
	s8 =	simm.s32 @!p0 $0x1BF5;
	p2 =	por !p2, p0  }
0x20: {  	[sflag:s8] =	ssyncset.s32 @!p0 $0xFFFFF086;
	s6 =	sadd.s32 @!p0 s3, s7;
	s7 =	simm.s32 @!p0 $0x108  }
0x21: {  	s3 =	sadd.s32 s3, s9;
	s6 =	sadd.s32 @!p0 $0x88, s6;
	s7 =	simm.s32 @p2 $0x1082  }
0x22: {  	[simem:s7], [sflag:s8] =	dma.local @!p0 [hbm:s6], $0xF7A  }
0x23: {  	s9 =	sor.u32 $0xD0000000, s2;
	s6 =	simm.s32 $0x108;
	_ =	swait.ge @!p0 [sflag:s8], $0x0  }
0x24: {  	s3 =	sadd.s32 $0x88, s3;
	s6 =	simm.s32 @!p1 $0x1082;
	[sflag:s4] =	ssyncset.s32 $0xFFFFF086  }
0x25: {  	[simem:s6], [sflag:s4] =	dma.local [hbm:s3], $0xF7A  }
0x26: {  	[smem:$0x3F9D] =	sst s1;
	(tag) =	ssettag s2;
	_ =	strace s9  }
0x27: {  	s1 =	sld [smem:$0x3FAD]  }
0x28: {  	s2 =	sld [smem:$0x3FAE]  }
0x29: {  	s4 =	sld [smem:$0x3FB0]  }
0x2a: {  	p0 =	seq.s32 s5, $0x0;
	s5 =	sld [smem:$0x3FB1]  }
0x2b: {  	s6 =	sld [smem:$0x3FB2]  }
0x2c: {  	s7 =	sld [smem:$0x3FB3]  }
0x2d: {  	s3 =	simm.s32 $0x108;
	s8 =	sld [smem:$0x3FB4]  }
0x2e: {  	s3 =	simm.s32 @!p0 $0x1082;
	s9 =	sld [smem:$0x3FB5]  }
0x2f: {  	lr =	sadd.s32 s0, s3;
	s0 =	sld [smem:$0x3FAC]  }
0x30: {  	s3 =	sld [smem:$0x3FAF]  }
0x31: {  	[smem:$0x3FB8] =	sst s10  }
0x32: {  	s10 =	sld [smem:$0x3FB6];
	_ =	sdelay $0x3  }
0x33: {  	p0 =	seq.s32 s10, $0x1;
	s10 =	sld [smem:$0x3FB8];
	_ =	sdelay $0x3  }
0x34: {  	[smem:$0x3FB8] =	sst s10  }
0x35: {  	s10 =	sld [smem:$0x3FB7];
	_ =	sdelay $0x3  }
0x36: {  	p1 =	seq.s32 s10, $0x1;
	s10 =	sld [smem:$0x3FB8];
	_ =	sdelay $0x3  }
0x37: {  	[smem:$0x3FB8] =	sst s10  }
0x38: {  	s10 =	sld [smem:$0x3FB9]  }
0x39: {  	_ = 	snop;
	(pc) =	sbr.ind lr, $3  }
0x3a: {  	_ = 	snop  }
0x3b: {  	_ = 	snop  }
0x3c: {  	p2 =	seq.s32 s10, $0x1;
	s10 =	sld [smem:$0x3FB8]  }
0x3d: {  	_ =	shalt  }
0x3e: {  	_ =	shalt  }
0x3f: {  	_ =	shalt  }
0x40: {  	_ =	shalt  }
0x41: {  	_ =	shalt  }
0x42: {  	_ =	shalt  }
0x43: {  	_ =	shalt  }
0x44: {  	_ =	shalt  }
0x45: {  	_ =	shalt  }
0x46: {  	_ =	shalt  }
0x47: {  	_ =	shalt  }
0x48: {  	_ =	shalt  }
0x49: {  	_ =	shalt  }
0x4a: {  	_ =	shalt  }
0x4b: {  	_ =	shalt  }
0x4c: {  	_ =	shalt  }
0x4d: {  	_ =	shalt  }
0x4e: {  	_ =	shalt  }
0x4f: {  	_ =	shalt  }
0x50: {  	_ =	shalt  }
0x51: {  	_ =	shalt  }
0x52: {  	_ =	shalt  }
0x53: {  	_ =	shalt  }
0x54: {  	_ =	shalt  }
0x55: {  	_ =	shalt  }
0x56: {  	_ =	shalt  }
0x57: {  	_ =	shalt  }
0x58: {  	_ =	shalt  }
0x59: {  	_ =	shalt  }
0x5a: {  	_ =	shalt  }
0x5b: {  	_ =	shalt  }
0x5c: {  	_ =	shalt  }
0x5d: {  	_ =	shalt  }
0x5e: {  	_ =	shalt  }
0x5f: {  	_ =	shalt  }
0x60: {  	_ =	shalt  }
0x61: {  	_ =	shalt  }
0x62: {  	_ =	shalt  }
0x63: {  	_ =	shalt  }
0x64: {  	_ =	shalt  }
0x65: {  	_ =	shalt  }
0x66: {  	_ =	shalt  }
0x67: {  	_ =	shalt  }
0x68: {  	_ =	shalt  }
0x69: {  	_ =	shalt  }
0x6a: {  	_ =	shalt  }
0x6b: {  	_ =	shalt  }
0x6c: {  	_ =	shalt  }
0x6d: {  	_ =	shalt  }
0x6e: {  	_ =	shalt  }
0x6f: {  	_ =	shalt  }
0x70: {  	_ =	shalt  }
0x71: {  	_ =	shalt  }
0x72: {  	_ =	shalt  }
0x73: {  	_ =	shalt  }
0x74: {  	_ =	shalt  }
0x75: {  	_ =	shalt  }
0x76: {  	_ =	shalt  }
0x77: {  	_ =	shalt  }
0x78: {  	_ =	shalt  }
0x79: {  	_ =	shalt  }
0x7a: {  	_ =	shalt  }
0x7b: {  	_ =	shalt  }
0x7c: {  	_ =	shalt  }
0x7d: {  	_ =	shalt  }
0x7e: {  	_ =	shalt  }
0x7f: {  	_ =	shalt  }
0x80: {  	_ =	shalt  }
0x81: {  	_ =	shalt  }
0x82: {  	_ =	shalt  }
0x83: {  	_ =	shalt  }
0x84: {  	_ =	shalt  }
0x85: {  	_ =	shalt  }
0x86: {  	_ =	shalt  }
0x87: {  	_ =	shalt  }
.Lfunc_end0:
.L_simem_size_0:
called_computation_lowered:
.L_overlay_start_0:
0x88: {  	s2 =	sld [smem:$0x3FD9]  }
0x89: {  	s3 =	sld [smem:$0x3FFE];
	_ =	sdelay $0x1  }
0x8a: {  	s1 =	srdreg.scid  }
0x8b: {  	s0 =	sand.u32 $0x1, s1  }
0x8c: {  	s17 =	sshll.u32 s0, $0xA;
	s2 =	sadd.s32 s3, s2  }
0x8d: {  	s2 =	sadd.s32 s2, s17  }
0x8e: {  	[smem:$0x3FC4] =	sst s2  }
0x8f: {  	_ = 	snop  }
0x90: {  	s2 =	sld [smem:$0x3FC8]  }
0x91: {  	s18 =	sld [smem:$0x3FD0];
	(tm) =	ssettm $0x1  }
0x92: {  	s4 =	sld [smem:$0x3FFB];
	_ =	sdelay $0x3  }
0x93: {  	_ =	strace s4  }
0x94: {  	s4 =	sld [smem:$0x3FFC];
	_ =	sdelay $0x3  }
0x95: {  	_ =	strace s4  }
0x96: {  	s4 =	sld [smem:$0x3FFD];
	_ =	sdelay $0x3  }
0x97: {  	_ =	strace s4  }
0x98: {  	_ =	strace $0x8FFFFFFF  }
0x99: {  	s19 =	sld [smem:$0x3FDB];
	_ =	sdelay $0x1  }
0x9a: {  	s5 =	simm.s32 $_scs_section_size  }
0x9b: {  	s6 =	simm.s32 $_size__tile_overlayer_lowered;
	s7 =	simm.s32 $_tile_overlayer_lowered  }
0x9c: {  	s22 =	simm.s32 $0x1BFF;
	s21 =	sshll.u32 s7, $0x1;
	s4 =	sadd.s32 s5, s19  }
0x9d: {  	s8 =	simm.s32 $0x0;
	s20 =	sshll.u32 s6, $0x1;
	s6 =	sadd.s32 s21, s4  }
0x9e: {  	[timem:s8], [sflag:s22] =	dma.local [hbm:s6], s20  }
0x9f: {  	_ =	swait.ge [sflag:s22], s20  }
0xa0: {  	s5 =	ssub.s32 $0x0, s20;
	[sflag:s22] =	ssyncset.done $0x0  }
0xa1: {  	[sflag:s22] =	ssyncadd.s32 s5;
	_ =	sdelay $0x1  }
0xa2: {  	s23 =	simm.s32 $0x1B8B  }
0xa3: {  	_ =	swait.ge [sflag:s23], $0x1  }
0xa4: {  	[sflag:s23] =	ssyncset.done $0x0  }
0xa5: {  	s25 =	simm.s32 $0x1B8E;
	s24 =	sld [smem:$0x3FFE];
	[sflag:s23] =	ssyncadd.s32 $0xFFFFFFFF  }
0xa6: {  	s26 =	simm.s32 $execute0_lowered;
	[smem:$0x3FD2] =	sst s25  }
0xa7: {  	s6 =	sshll.u32 s26, $0x1;
	_ =	strace $0x80000046;
	[dreg:$0x1] =	wrdreg $0xFFFFFFFF  }
0xa8: {  	s28 =	simm.s32 $_size_execute0_lowered;
	s4 =	sadd.s32 s4, s6;
	[dreg:$0x0] =	wrdreg $0x0  }
0xa9: {  	s6 =	sshll.u32 s28, $0x1;
	[dreg:$0x2] =	wrdreg s4  }
0xaa: {  	[dreg:$0x3] =	wrdreg s6  }
0xab: {  	[dreg:$0x4] =	wrdreg $0xC0  }
0xac: {  	_ =	task [dreg:s8], $0x5FFFF  }
0xad: {  	[dreg:$0x1] =	wrdreg $0xFFFFFFFF  }
0xae: {  	[dreg:$0x0] =	wrdreg $0x60  }
0xaf: {  	[dreg:$0x2] =	wrdreg s2  }
0xb0: {  	[dreg:$0x3] =	wrdreg s18  }
0xb1: {  	[dreg:$0x4] =	wrdreg s24  }
0xb2: {  	[dreg:$0x5] =	wrdreg $0xB8000  }
0xb3: {  	[dreg:$0x6] =	wrdreg $0x9  }
0xb4: {  	_ =	task.clear_ibuf [dreg:s8], $0x7FFFF;
	_ =	strace $0x90000046  }
0xb5: {  	s29 =	simm.s32 $0x9;
	_ =	strace $0x80000048  }
0xb6: {  	_ =	swait.ge [sflag:s29], $0x1  }
0xb7: {  	[sflag:s29] =	ssyncadd.s32 $0xFFFFFFFF  }
0xb8: {  	_ =	strace $0x90000048  }
0xb9: {  	_ =	sfence  }
0xba: {  	s30 =	sld [smem:$0x0];
	_ =	sdelay $0x2  }
0xbb: {  	s31 =	sshll.u32 s1, $0xD;
	s1 =	sshrl.u32 s1, $0x2  }
0xbc: {  	s3 =	sand.u32 $0x4000, s31;
	s1 =	sadd.s32 s1, s30  }
0xbd: {  	s0 =	sor.u32 s3, s0;
	s1 =	sshll.u32 s1, $0x11  }
0xbe: {  	s0 =	sor.u32 s1, s0  }
0xbf: {  	s0 =	sadd.s32 $0x8F2B, s0  }
0xc0: {  	[sflag:s0] =	ssyncadd.remote.s32 $0x1  }
0xc1: {  	_ =	sfence.sel $0xFFFF  }
0xc2: {  	[dreg:$0x0] =	wrdreg $0xFFFFFFFF;
	(pc) =	sbr.abs _section_cstart, $3  }
0xc3: {  	[dreg:$0x1] =	wrdreg $0xFFFFFFFF  }
0xc4: {  	_ =	task.clear_ibuf [dreg:s8], $0x2FFFF;
	_ =	strace $0x9FFFFFFF  }
0xc5: {  	(tm) =	ssettm $0x7FFFFFFF  }
tec
execute0_lowered:
.L_overlay_start_1:
0x0: {  	(tag) =	ssettag $0x1  }
0x1: {  	s11 =	rddreg [dreg:$0x0]  }
0x2: {  	s6 =	rddreg [dreg:$0x1]  }
0x3: {  	s5 =	rddreg [dreg:$0x2]  }
0x4: {  	s0 =	srdreg.scid;
	s2 =	rddreg [dreg:$0x3];
	s3 =	simm.s32 $0x0  }
0x5: {  	s17 =	simm.s32 $0x4000;
	s18 =	simm.s32 $0x6800;
	s7 =	sand.u32 $0x1, s0  }
0x6: {  	s19 =	simm.s32 $0x1;
	s0 =	stileid.u32;
	s4 =	smul.u32 $0x140000, s7  }
0x7: {  	s28 =	simm.s32 $0x0;
	[smem:$0x7FF] =	sst s3;
	s8 =	smul.u32 $0x14000, s0  }
0x8: {  	_ =	strace $0x80000047;
	s9 =	ssub.s32 $0x2, s7;
	s12 =	smul.u32 $0x50000, s0  }
0x9: {  	s10 =	sshll.u32 s7, $0x4;
	s23 =	sshll.u32 s0, $0x6;
	s29 =	smul.u32 $0x271000, s7  }
0xa: {  	s30 =	smul.u32 $0x27100, s0;
	s20 =	sshrl.u32 s9, $0x1;
	s21 =	sor.u32 s0, s10  }
0xb: {  	s8 =	sadd.s32 s8, s4;
	s4 =	sadd.s32 $0x600, s5;
	s22 =	sshrl.u32 s12, $0x2  }
0xc: {  	s14 =	smul.u32 $0x138800, s21;
	s15 =	ssub.s32 s9, s20;
	s24 =	sshll.u32 s21, $0xB  }
0xd: {  	s31 =	sadd.s32 s29, s11;
	s20 =	simm.s32 $0x50;
	s8 =	sshrl.u32 s8, $0x3  }
0xe: {  	s16 =	sadd.s32 s22, s2;
	s6 =	sadd.s32 s6, s24;
	s10 =	smax.u32 s15, $0x1  }
0xf: {  	s22 =	simm.s32 $0x80;
	s24 =	simm.s32 $0x100;
	s13 =	sadd.s32 s8, s5  }
0x10: {  	s5 =	sor.u32 $0x1C03, s23;
	s8 =	smul.u32 $0x27100, s21;
	s25 =	sshrl.u32 s14, $0x3  }
0x11: {  	s14 =	sadd.s32 s30, s31;
	s15 =	sshrl.u32 s16, $0x3;
	s16 =	simm.s32 $0x3  }
0x12: {  	s21 =	simm.s32 $0x9000;
	s23 =	simm.s32 $0x2;
	s26 =	sadd.s32 s11, s25  }
0x13: {  	s9 =	sadd.s32 $0x2E00, s13;
	s14 =	sadd.s32 $0x1900, s14;
	s25 =	simm.s32 $0x3D80  }
0x14: {  	s7 =	sadd.s32 s11, s8;
	s8 =	sadd.s32 $0x500, s26;
	s26 =	simm.s32 $0x3E00  }
0x15: {  	s11 =	sadd.s32 $0xA00, s7;
	s12 =	sadd.s32 $0xF00, s7;
	s13 =	sadd.s32 $0x1400, s7  }
.LBB2_1:
0x16: {  	[spmem:s15], [sflag:s5] =	dma.local [hbm:s4], $0x2800  }
0x17: {  	_ =	swait.ge [sflag:s16], $0x2800  }
0x18: {  	[sflag:s16] =	ssyncset.done $0x0  }
0x19: {  	[sflag:s16] =	ssyncadd.s32 $0xFFFFD800  }
0x1a: {  	[tilespmem:s3], [sflag:$0x3] =	stream.linear.gather [hbm4b:s6+s3], $0x3E80, $0x38;
	[tilespmem:$0x1F800] =	vst v63  }
0x1b: {  	_ =	swait.ge [sflag:s16], $0x3E80  }
0x1c: {  	[sflag:s16] =	ssyncset.done $0x0  }
0x1d: {  	[sflag:s16] =	ssyncadd.s32 $0xFFFFC180  }
0x1e: {  	[bflag:$0x0] =	sbarrier.arrive $0xFFFF  }
0x1f: {  	[tilespmem:s17], [sflag:$0x1] =	stream.linear.gather [hbm4b:s7+s3], $0x2800, $0x38;
	[tilespmem:$0x1F800] =	vst v63  }
0x20: {  	_ = 	snop  }
0x21: {  	[tilespmem:s18], [sflag:$0x1] =	stream.linear.gather [hbm4b:s8+s3], $0x2800, $0x38;
	[tilespmem:$0x1F800] =	vst v63  }
0x22: {  	_ =	swait.ge [sflag:s19], $0x2800  }
0x23: {  	[sflag:s19] =	ssyncset.done $0x0  }
0x24: {  	[sflag:s19] =	ssyncadd.s32 $0xFFFFD800  }
0x25: {  	[spmem:s2] =	stream.indirect.scatter.add.f32 [tilespmem:s17], [sflag:$0x2], $0x80, s3, s20, $0xb8;
	[tilespmem:$0x1F800] =	vst v63  }
0x26: {  	_ = 	snop  }
0x27: {  	[tilespmem:s21], [sflag:$0x1] =	stream.linear.gather [hbm4b:s11+s3], $0x2800, $0x38;
	[tilespmem:$0x1F800] =	vst v63  }
0x28: {  	_ =	swait.ge [sflag:s19], $0x2800  }
0x29: {  	[sflag:s19] =	ssyncset.done $0x0  }
0x2a: {  	[sflag:s19] =	ssyncadd.s32 $0xFFFFD800  }
0x2b: {  	[spmem:s2] =	stream.indirect.scatter.add.f32 [tilespmem:s18], [sflag:$0x2], $0x80, s22, s20, $0xb8;
	[tilespmem:$0x1F800] =	vst v63  }
0x2c: {  	_ =	swait.ge [sflag:s23], $0x2800  }
0x2d: {  	[sflag:s23] =	ssyncset.done $0x0  }
0x2e: {  	[sflag:s23] =	ssyncadd.s32 $0xFFFFD800  }
0x2f: {  	[tilespmem:s17], [sflag:$0x1] =	stream.linear.gather [hbm4b:s12+s3], $0x2800, $0x38;
	[tilespmem:$0x1F800] =	vst v63  }
0x30: {  	_ =	swait.ge [sflag:s19], $0x2800  }
0x31: {  	[sflag:s19] =	ssyncset.done $0x0  }
0x32: {  	[sflag:s19] =	ssyncadd.s32 $0xFFFFD800  }
0x33: {  	[spmem:s2] =	stream.indirect.scatter.add.f32 [tilespmem:s21], [sflag:$0x2], $0x80, s24, s20, $0xb8;
	[tilespmem:$0x1F800] =	vst v63  }
0x34: {  	_ =	swait.ge [sflag:s23], $0x2800  }
0x35: {  	[sflag:s23] =	ssyncset.done $0x0  }
0x36: {  	[sflag:s23] =	ssyncadd.s32 $0xFFFFD800  }
0x37: {  	[tilespmem:s18], [sflag:$0x1] =	stream.linear.gather [hbm4b:s13+s3], $0x2800, $0x38;
	[tilespmem:$0x1F800] =	vst v63  }
0x38: {  	_ =	swait.ge [sflag:s19], $0x2800  }
0x39: {  	[sflag:s19] =	ssyncset.done $0x0  }
0x3a: {  	s29 =	simm.s32 $0x180;
	[sflag:s19] =	ssyncadd.s32 $0xFFFFD800  }
0x3b: {  	[spmem:s2] =	stream.indirect.scatter.add.f32 [tilespmem:s17], [sflag:$0x2], $0x80, s29, s20, $0xb8;
	[tilespmem:$0x1F800] =	vst v63  }
0x3c: {  	_ =	swait.ge [sflag:s23], $0x2800  }
0x3d: {  	[sflag:s23] =	ssyncset.done $0x0  }
0x3e: {  	[sflag:s23] =	ssyncadd.s32 $0xFFFFD800  }
0x3f: {  	[tilespmem:s21], [sflag:$0x1] =	stream.linear.gather [hbm4b:s14+s3], $0x2800, $0x38;
	[tilespmem:$0x1F800] =	vst v63  }
0x40: {  	_ =	swait.ge [sflag:s19], $0x2800  }
0x41: {  	[sflag:s19] =	ssyncset.done $0x0  }
0x42: {  	s29 =	simm.s32 $0x200;
	[sflag:s19] =	ssyncadd.s32 $0xFFFFD800  }
0x43: {  	[spmem:s2] =	stream.indirect.scatter.add.f32 [tilespmem:s18], [sflag:$0x2], $0x80, s29, s20, $0xb8;
	[tilespmem:$0x1F800] =	vst v63  }
0x44: {  	_ =	swait.ge [sflag:s23], $0x2800  }
0x45: {  	[sflag:s23] =	ssyncset.done $0x0  }
0x46: {  	s29 =	sadd.s32 $0x500, s14;
	[sflag:s23] =	ssyncadd.s32 $0xFFFFD800  }
0x47: {  	[tilespmem:s17], [sflag:$0x1] =	stream.linear.gather [hbm4b:s29+s3], $0x2800, $0x38;
	[tilespmem:$0x1F800] =	vst v63  }
0x48: {  	_ =	swait.ge [sflag:s19], $0x2800  }
0x49: {  	[sflag:s19] =	ssyncset.done $0x0  }
0x4a: {  	s29 =	simm.s32 $0x280;
	[sflag:s19] =	ssyncadd.s32 $0xFFFFD800  }
0x4b: {  	[spmem:s2] =	stream.indirect.scatter.add.f32 [tilespmem:s21], [sflag:$0x2], $0x80, s29, s20, $0xb8;
	[tilespmem:$0x1F800] =	vst v63  }
0x4c: {  	_ =	swait.ge [sflag:s23], $0x2800  }
0x4d: {  	s31 =	sadd.s32 $0xA00, s14;
	[sflag:s23] =	ssyncset.done $0x0  }
0x4e: {  	s30 =	sadd.s32 $0xF00, s14;
	s29 =	simm.s32 $0x600;
	[sflag:s23] =	ssyncadd.s32 $0xFFFFD800  }
.LBB2_2:
0x4f: {  	[tilespmem:s18], [sflag:$0x1] =	stream.linear.gather [hbm4b:s31+s3], $0x2800, $0x38;
	[tilespmem:$0x1F800] =	vst v63  }
0x50: {  	s31 =	smov.u32 s29  }
0x51: {  	p0 =	sne.s32 s29, $0xEA00;
	s29 =	sadd.s32 $0x600, s29;
	_ =	swait.ge [sflag:s19], $0x2800  }
0x52: {  	s31 =	sshra.s32 s31, $0x2;
	[sflag:s19] =	ssyncset.done $0x0  }
0x53: {  	s1 =	sadd.s32 $0x180, s31;
	[sflag:s19] =	ssyncadd.s32 $0xFFFFD800  }
0x54: {  	[spmem:s2] =	stream.indirect.scatter.add.f32 [tilespmem:s17], [sflag:$0x2], $0x80, s1, s20, $0xb8;
	[tilespmem:$0x1F800] =	vst v63  }
0x55: {  	_ =	swait.ge [sflag:s23], $0x2800  }
0x56: {  	[sflag:s23] =	ssyncset.done $0x0  }
0x57: {  	[sflag:s23] =	ssyncadd.s32 $0xFFFFD800  }
0x58: {  	[tilespmem:s21], [sflag:$0x1] =	stream.linear.gather [hbm4b:s30+s3], $0x2800, $0x38;
	[tilespmem:$0x1F800] =	vst v63  }
0x59: {  	_ =	swait.ge [sflag:s19], $0x2800  }
0x5a: {  	[sflag:s19] =	ssyncset.done $0x0  }
0x5b: {  	s1 =	sadd.s32 $0x200, s31;
	[sflag:s19] =	ssyncadd.s32 $0xFFFFD800  }
0x5c: {  	[spmem:s2] =	stream.indirect.scatter.add.f32 [tilespmem:s18], [sflag:$0x2], $0x80, s1, s20, $0xb8;
	[tilespmem:$0x1F800] =	vst v63  }
0x5d: {  	_ =	swait.ge [sflag:s23], $0x2800  }
0x5e: {  	[sflag:s23] =	ssyncset.done $0x0  }
0x5f: {  	s1 =	sadd.s32 $0x500, s30;
	[sflag:s23] =	ssyncadd.s32 $0xFFFFD800  }
0x60: {  	[tilespmem:s17], [sflag:$0x1] =	stream.linear.gather [hbm4b:s1+s3], $0x2800, $0x38;
	[tilespmem:$0x1F800] =	vst v63  }
0x61: {  	_ =	swait.ge [sflag:s19], $0x2800  }
0x62: {  	[sflag:s19] =	ssyncset.done $0x0  }
.Ltmp0:
0x63: {  	s1 =	sadd.s32 $0x280, s31;
	[sflag:s19] =	ssyncadd.s32 $0xFFFFD800;
	(pc) =	sbr.rel @p0 .LBB2_2-.Ltmp0, $4  }
0x64: {  	[spmem:s2] =	stream.indirect.scatter.add.f32 [tilespmem:s21], [sflag:$0x2], $0x80, s1, s20, $0xb8;
	[tilespmem:$0x1F800] =	vst v63  }
0x65: {  	_ =	swait.ge [sflag:s23], $0x2800  }
0x66: {  	[sflag:s23] =	ssyncset.done $0x0  }
0x67: {  	s31 =	sadd.s32 $0xA00, s30;
	s30 =	sadd.s32 $0xF00, s30;
	[sflag:s23] =	ssyncadd.s32 $0xFFFFD800  }
0x68: {  	[tilespmem:s18], [sflag:$0x1] =	stream.linear.gather [hbm4b:s31+s3], $0x2800, $0x38;
	[tilespmem:$0x1F800] =	vst v63  }
0x69: {  	_ =	swait.ge [sflag:s19], $0x2800  }
0x6a: {  	[sflag:s19] =	ssyncset.done $0x0  }
0x6b: {  	[sflag:s19] =	ssyncadd.s32 $0xFFFFD800  }
0x6c: {  	[spmem:s2] =	stream.indirect.scatter.add.f32 [tilespmem:s17], [sflag:$0x2], $0x80, s25, s20, $0xb8;
	[tilespmem:$0x1F800] =	vst v63  }
0x6d: {  	_ =	swait.ge [sflag:s23], $0x2800  }
0x6e: {  	[sflag:s23] =	ssyncset.done $0x0  }
0x6f: {  	[sflag:s23] =	ssyncadd.s32 $0xFFFFD800  }
0x70: {  	_ =	swait.ge [sflag:s19], $0x2800  }
0x71: {  	[sflag:s19] =	ssyncset.done $0x0  }
0x72: {  	[sflag:s19] =	ssyncadd.s32 $0xFFFFD800  }
0x73: {  	[spmem:s2] =	stream.indirect.scatter.add.f32 [tilespmem:s18], [sflag:$0x2], $0x80, s26, s20, $0xb8;
	[tilespmem:$0x1F800] =	vst v63  }
0x74: {  	_ =	swait.ge [sflag:s23], $0x2800  }
0x75: {  	[sflag:s23] =	ssyncset.done $0x0  }
0x76: {  	[sflag:s23] =	ssyncadd.s32 $0xFFFFD800  }
0x77: {  	_ =	swait.ge [sflag:s23], $0x2800  }
0x78: {  	s28 =	sadd.s32 $0x1, s28;
	[sflag:s23] =	ssyncset.done $0x0  }
0x79: {  	p0 =	sne.s32 s28, s10;
	[sflag:s23] =	ssyncadd.s32 $0xFFFFD800  }
.Ltmp1:
0x7a: {  	[bflag:$0x0] =	sbarrier.arrive $0xFFFF;
	(pc) =	sbr.rel @p0 .LBB2_1-.Ltmp1, $4  }
0x7b: {  	[hbm:s9], [sflag:s5] =	dma.local [spmem:s15], $0x2800  }
0x7c: {  	_ =	swait.ge [sflag:s16], $0x2800  }
0x7d: {  	[sflag:s16] =	ssyncset.done $0x0  }
0x7e: {  	[sflag:s16] =	ssyncadd.s32 $0xFFFFD800  }
0x7f: {  	_ =	sfence.sel $0x180000  }
0x80: {  	[bflag:$0x0] =	sbarrier.arrive $0xFFFF  }
0x81: {  	_ =	strace $0x90000047  }
0x82: {  	[bflag:$0x2] =	sbarrier.arrive $0xFFFF  }
0x83: {  	p0 =	sne.s32 s0, $0x0;
	s0 =	rddreg [dreg:$0x4]  }
0x84: {  	s0 =	sadd.s32 @!p0 $0x100000, s0  }
0x85: {  	[sflag:s0] =	ssyncadd.tile.s32 @!p0 $0x1;
	_ =	shalt  }
.Lfunc_end2:
_tile_overlayer_lowered:
.L_overlay_start_2:
0x86: {  	(tag) =	ssettag $0x2  }
0x87: {  	s0 =	rddreg [dreg:$0x0];
	s2 =	stileid.u32  }
0x88: {  	s1 =	rddreg [dreg:$0x1];
	p0 =	sne.s32 s2, $0x0  }
0x89: {  	s3 =	rddreg [dreg:$0x2];
	[bflag:$0x3] =	sbarrier.arrive $0xFFFF;
	s2 =	simm.s32 @!p0 $0x1C03  }
0x8a: {  	[timem:s3], [sflag:s2] =	dma.local @!p0 [hbm:s0], s1  }
0x8b: {  	s0 =	simm.s32 @!p0 $0x3  }
0x8c: {  	_ =	swait.ge @!p0 [sflag:s0], s1  }
0x8d: {  	s1 =	ssub.s32 @!p0 $0x0, s1;
	[sflag:s0] =	ssyncset.done @!p0 $0x0  }
0x8e: {  	[sflag:s0] =	ssyncadd.s32 @!p0 s1  }
0x8f: {  	[bflag:$0x3] =	sbarrier.arrive $0xFFFF  }
0x90: {  	_ =	shalt  }

</sc_bundles>
